<compile_context>
chip_gen: v7x
topology: tpu7x:2x2x1
jax: 0.10.2.dev20260603
libtpu: 0.0.44.dev20260713+nightly
codegen_flags: <defaults>
</compile_context>

<pallas_src>
import functools

import jax
import jax.numpy as jnp
from jax import lax
from jax.experimental import pallas as pl
from jax.experimental.pallas import tpu as pltpu
from jax.experimental.pallas import tpu_sc as plsc

N = 10000
H = 32
C = 128
CPG = 16
EDGES = N * H
BM = 400
BE = BM * H
GRID = N // BM
EPS = 1e-5


_NW = 32
_EPW = EDGES // _NW
_CH = 80
_NCH = _EPW // _CH
_QROWS = 400
_QCH = _QROWS // _CH


def _sc_gather(inds_flat, inds0, kvtab, qtab, px, py, pz, qx, qy, qz):
  mesh = plsc.VectorSubcoreMesh(core_axis_name="c", subcore_axis_name="s")

  @functools.partial(
      pl.kernel,
      out_type=[
          jax.ShapeDtypeStruct((EDGES, C), jnp.float32),
          jax.ShapeDtypeStruct((EDGES * 4,), jnp.float32),
          jax.ShapeDtypeStruct((N, C), jnp.float32),
      ],
      mesh=mesh,
      compiler_params=pltpu.CompilerParams(needs_layout_passes=False),
      scratch_types=[
          pltpu.VMEM((_EPW,), jnp.int32),
          pltpu.VMEM((_CH,), jnp.int32),
          pltpu.VMEM((_CH, C), jnp.float32),
          pltpu.VMEM((_CH, C), jnp.float32),
          pltpu.VMEM((_CH * 4,), jnp.float32),
          pltpu.VMEM((_CH * 4,), jnp.float32),
          pltpu.VMEM((N,), jnp.float32),
          pltpu.VMEM((N,), jnp.float32),
          pltpu.VMEM((N,), jnp.float32),
          pltpu.VMEM((N,), jnp.float32),
          pltpu.VMEM((N,), jnp.float32),
          pltpu.VMEM((N,), jnp.float32),
          pltpu.SemaphoreType.DMA,
          pltpu.SemaphoreType.DMA,
      ],
  )
  def gather_kernel(inds_hbm, inds0_hbm, kvtab_hbm, qtab_hbm,
                    px_hbm, py_hbm, pz_hbm, qx_hbm, qy_hbm, qz_hbm,
                    nkv_out, nbr_out, qsel_out,
                    idxall, idxq, bufa, bufb, pbufa, pbufb,
                    xtab, ytab, ztab, qxtab, qytab, qztab, sema, semb):
    wid = lax.axis_index("s") * 2 + lax.axis_index("c")
    base = wid * _EPW
    iota16 = lax.iota(jnp.int32, 16)
    zero16 = jnp.zeros((16,), jnp.float32)

    pltpu.sync_copy(inds_hbm.at[pl.ds(base, _EPW)], idxall)
    pltpu.sync_copy(px_hbm, xtab)
    pltpu.sync_copy(py_hbm, ytab)
    pltpu.sync_copy(pz_hbm, ztab)
    pltpu.sync_copy(qx_hbm, qxtab)
    pltpu.sync_copy(qy_hbm, qytab)
    pltpu.sync_copy(qz_hbm, qztab)

    def start(c, buf, sem):
      return pltpu.async_copy(
          kvtab_hbm.at[idxall.at[pl.ds(c * _CH, _CH)]], buf, sem)

    def wait_drain(buf, sem):
      pltpu.make_async_copy(
          kvtab_hbm.at[idxall.at[pl.ds(0, _CH)]], buf, sem).wait()

    def coords(c, pbuf):
      off = base + c * _CH
      for j in range(_CH // 16):
        idx16 = idxall[pl.ds(c * _CH + j * 16, 16)]
        rowi = lax.shift_right_logical(
            jnp.full((16,), off + j * 16, jnp.int32) + iota16, 5)
        lid = iota16 * 4 + (j * 64)
        plsc.store_scatter(
            pbuf, [lid],
            plsc.load_gather(xtab, [idx16])
            - plsc.load_gather(qxtab, [rowi]))
        plsc.store_scatter(
            pbuf, [lid + 1],
            plsc.load_gather(ytab, [idx16])
            - plsc.load_gather(qytab, [rowi]))
        plsc.store_scatter(
            pbuf, [lid + 2],
            plsc.load_gather(ztab, [idx16])
            - plsc.load_gather(qztab, [rowi]))
        plsc.store_scatter(pbuf, [lid + 3], zero16)
      pltpu.sync_copy(pbuf, nbr_out.at[pl.ds(off * 4, _CH * 4)])

    def finish(c, buf, sem):
      wait_drain(buf, sem)
      pltpu.sync_copy(buf, nkv_out.at[pl.ds(base + c * _CH, _CH)])

    start(0, bufa, sema)

    def pair(ii, _):
      c = 2 * ii
      start(c + 1, bufb, semb)
      coords(c, pbufa)
      finish(c, bufa, sema)
      start(c + 2, bufa, sema)
      coords(c + 1, pbufb)
      finish(c + 1, bufb, semb)
      return 0

    lax.fori_loop(0, (_NCH - 1) // 2, pair, 0)
    coords(_NCH - 1, pbufa)
    finish(_NCH - 1, bufa, sema)

    def qbody(t, _):
      qc = wid + _NW * t

      @pl.when(qc < N // _CH)
      def _():
        off = qc * _CH
        pltpu.sync_copy(inds0_hbm.at[pl.ds(off, _CH)], idxq)
        pltpu.async_copy(qtab_hbm.at[idxq], bufa, sema).wait()
        pltpu.sync_copy(bufa, qsel_out.at[pl.ds(off, _CH)])

      return 0

    lax.fori_loop(0, 4, qbody, 0)

  return gather_kernel(inds_flat, inds0, kvtab, qtab, px, py, pz,
                       qx, qy, qz)




def _qkv_body(s_ref, w_ref, b_ref, q_ref, kv_ref):
  acc = (
      jnp.dot(s_ref[...], w_ref[...], preferred_element_type=jnp.float32)
      + b_ref[...]
  )
  q_ref[...] = acc[:, :C]
  kb = lax.bitcast_convert_type(
      acc[:, C:2 * C].astype(jnp.bfloat16).astype(jnp.float32), jnp.int32)
  vb = lax.bitcast_convert_type(
      acc[:, 2 * C:].astype(jnp.bfloat16).astype(jnp.float32), jnp.int32)
  kv_ref[...] = lax.bitcast_convert_type(
      jnp.bitwise_or(lax.shift_right_logical(kb, 16), vb), jnp.float32)


def _qkv(s_feats, w_all, b_all):
  bm = 2000
  spec = pl.BlockSpec((bm, C), lambda i: (i, 0))
  return pl.pallas_call(
      _qkv_body,
      grid=(N // bm,),
      in_specs=[
          pl.BlockSpec((bm, C), lambda i: (i, 0)),
          pl.BlockSpec((C, 3 * C), lambda i: (0, 0)),
          pl.BlockSpec((1, 3 * C), lambda i: (0, 0)),
      ],
      out_specs=[spec, spec],
      out_shape=[
          jax.ShapeDtypeStruct((N, C), jnp.float32),
          jax.ShapeDtypeStruct((N, C), jnp.float32),
      ],
  )(s_feats, w_all, b_all)


def _leaky(x):
  return jnp.where(x >= 0, x, 0.1 * x)


def _unpack_k(kv):
  bits = lax.bitcast_convert_type(kv, jnp.int32)
  return lax.bitcast_convert_type(lax.shift_left(bits, 16), jnp.float32)


def _unpack_v(kv):
  bits = lax.bitcast_convert_type(kv, jnp.int32)
  return lax.bitcast_convert_type(
      jnp.bitwise_and(bits, jnp.int32(-65536)), jnp.float32)


def _edge_expand(wide, mask_ref, gmat_ref):
  rows = wide.shape[0]
  grp = BE // rows
  brd = jnp.broadcast_to(wide[:, None, :], (rows, grp, C))
  masked = (brd * mask_ref[...][None, :, :]).reshape(BE, C)
  return jnp.dot(masked, gmat_ref[...], preferred_element_type=jnp.float32)


def _geom(nbr_ref, sc1_ref, sh1_ref, m32_ref, g1_ref, wd2_ref, bd2_ref):
  y1 = _edge_expand(nbr_ref[...], m32_ref, g1_ref)
  hg = _leaky(y1 * sc1_ref[...] + sh1_ref[...])
  return (
      jnp.dot(hg, wd2_ref[...], preferred_element_type=jnp.float32)
      + bd2_ref[...]
  )


def _qk_edges(nk_ref, qsel_ref, geom):
  qsel_e = jnp.broadcast_to(qsel_ref[...][:, None, :],
                            (BM, H, C)).reshape(BE, C)
  return qsel_e - _unpack_k(nk_ref[...]) - geom


def _passA_body(nbr_ref, m32_ref, g1_ref, bd1_ref, sum_ref):
  y1 = _edge_expand(nbr_ref[...], m32_ref, g1_ref) + bd1_ref[...]
  s1 = jnp.sum(y1, axis=0)
  s2 = jnp.sum(y1 * y1, axis=0)

  @pl.when(pl.program_id(0) == 0)
  def _():
    sum_ref[...] = jnp.zeros_like(sum_ref)

  sum_ref[0, :] += s1
  sum_ref[1, :] += s2


def _passA(nbr4, m32, g1, bd1):
  return pl.pallas_call(
      _passA_body,
      grid=(GRID,),
      in_specs=[
          pl.BlockSpec((BE * 4 // C, C), lambda i: (i, 0)),
          pl.BlockSpec((H, C), lambda i: (0, 0)),
          pl.BlockSpec((C, C // 4), lambda i: (0, 0)),
          pl.BlockSpec((1, C // 4), lambda i: (0, 0)),
      ],
      out_specs=pl.BlockSpec((2, C // 4), lambda i: (0, 0)),
      out_shape=jax.ShapeDtypeStruct((2, C // 4), jnp.float32),
  )(nbr4, m32, g1, bd1)


_SMALL = lambda shape: pl.BlockSpec(shape, lambda i: (0, 0))


def _passB_body(nk_ref, nbr_ref, qsel_ref, m32_ref, g1_ref, sc1_ref,
                sh1_ref, wd2_ref, bd2_ref, sum_ref):
  geom = _geom(nbr_ref, sc1_ref, sh1_ref, m32_ref, g1_ref, wd2_ref, bd2_ref)
  qk = _qk_edges(nk_ref, qsel_ref, geom)
  s1 = jnp.sum(qk, axis=0)
  s2 = jnp.sum(qk * qk, axis=0)

  @pl.when(pl.program_id(0) == 0)
  def _():
    sum_ref[...] = jnp.zeros_like(sum_ref)

  sum_ref[0, :] += s1
  sum_ref[1, :] += s2


def _passB(nk, nbr4, q_sel, m32, g1, sc1, sh1, wd2, bd2):
  return pl.pallas_call(
      _passB_body,
      grid=(GRID,),
      in_specs=[
          pl.BlockSpec((BE, C), lambda i: (i, 0)),
          pl.BlockSpec((BE * 4 // C, C), lambda i: (i, 0)),
          pl.BlockSpec((BM, C), lambda i: (i, 0)),
          _SMALL((H, C)),
          _SMALL((C, C // 4)),
          _SMALL((1, C // 4)),
          _SMALL((1, C // 4)),
          _SMALL((C // 4, C)),
          _SMALL((1, C)),
      ],
      out_specs=pl.BlockSpec((2, C), lambda i: (0, 0)),
      out_shape=jax.ShapeDtypeStruct((2, C), jnp.float32),
  )(nk, nbr4, q_sel, m32, g1, sc1, sh1, wd2, bd2)


def _passC_body(nk_ref, nbr_ref, qsel_ref, m32_ref, g1_ref, sc1_ref,
                sh1_ref, wd2_ref, bd2_ref, sc2_ref, sh2_ref, wa1_ref,
                ba1_ref, tile_ref, m8_ref, y3_ref, sum_ref):
  geom = _geom(nbr_ref, sc1_ref, sh1_ref, m32_ref, g1_ref, wd2_ref, bd2_ref)
  qk = _qk_edges(nk_ref, qsel_ref, geom)
  a = _leaky(qk * sc2_ref[...] + sh2_ref[...])
  y3 = (
      jnp.dot(a, wa1_ref[...], preferred_element_type=jnp.float32)
      + ba1_ref[...]
  )
  y3sp = (
      jnp.dot(y3, tile_ref[...], preferred_element_type=jnp.float32)
      .reshape(BM, H, C) * m8_ref[...][None, :, :]
  ).reshape(BE * CPG // C, C // CPG, C)
  y3_ref[...] = jnp.sum(y3sp, axis=1)
  s1 = jnp.sum(y3, axis=0)
  s2 = jnp.sum(y3 * y3, axis=0)

  @pl.when(pl.program_id(0) == 0)
  def _():
    sum_ref[...] = jnp.zeros_like(sum_ref)

  sum_ref[0, :] += s1
  sum_ref[1, :] += s2


def _passC(nk, nbr4, q_sel, m32, g1, sc1, sh1, wd2, bd2, sc2, sh2, wa1,
           ba1, tile_mat, m8):
  return pl.pallas_call(
      _passC_body,
      grid=(GRID,),
      in_specs=[
          pl.BlockSpec((BE, C), lambda i: (i, 0)),
          pl.BlockSpec((BE * 4 // C, C), lambda i: (i, 0)),
          pl.BlockSpec((BM, C), lambda i: (i, 0)),
          _SMALL((H, C)),
          _SMALL((C, C // 4)),
          _SMALL((1, C // 4)),
          _SMALL((1, C // 4)),
          _SMALL((C // 4, C)),
          _SMALL((1, C)),
          _SMALL((1, C)),
          _SMALL((1, C)),
          _SMALL((C, CPG)),
          _SMALL((1, CPG)),
          _SMALL((CPG, C)),
          _SMALL((H, C)),
      ],
      out_specs=[
          pl.BlockSpec((BE * CPG // C, C), lambda i: (i, 0)),
          pl.BlockSpec((2, CPG), lambda i: (0, 0)),
      ],
      out_shape=[
          jax.ShapeDtypeStruct((EDGES * CPG // C, C), jnp.float32),
          jax.ShapeDtypeStruct((2, CPG), jnp.float32),
      ],
  )(nk, nbr4, q_sel, m32, g1, sc1, sh1, wd2, bd2, sc2, sh2, wa1,
    ba1, tile_mat, m8)


def _lane_butterfly(x, op):
  for sh in (CPG, 2 * CPG, 4 * CPG):
    x = op(x, pltpu.roll(x, sh, 1))
  return x


def _passD_body(nv_ref, nbr_ref, y3_ref, m32_ref, g1_ref, sc1_ref, sh1_ref,
                wd2_ref, bd2_ref, sc3_ref, sh3_ref, w2bd_ref, ba2_ref,
                m8_ref, gbig_ref, out_ref):
  geom = _geom(nbr_ref, sc1_ref, sh1_ref, m32_ref, g1_ref, wd2_ref, bd2_ref)
  vmg = _unpack_v(nv_ref[...]) - geom
  y3w = y3_ref[...]
  a2w = _leaky(y3w * sc3_ref[...] + sh3_ref[...])
  a3w = (
      jnp.dot(a2w, w2bd_ref[...], preferred_element_type=jnp.float32)
      + ba2_ref[...]
  )
  a34 = a3w.reshape(BM, H // 8, C)
  mx = _lane_butterfly(jnp.max(a34, axis=1), jnp.maximum)
  eb = jnp.exp(a3w - jnp.broadcast_to(
      mx[:, None, :], (BM, H // 8, C)).reshape(BM * H // 8, C))
  s = _lane_butterfly(jnp.sum(eb.reshape(BM, H // 8, C), axis=1),
                      jnp.add)
  rows = BM * H // 8
  ebrd = jnp.broadcast_to(eb[:, None, :], (rows, 8, C))
  emsk = (ebrd.reshape(BM, H, C) * m8_ref[...][None, :, :]).reshape(BE, C)
  et = jnp.dot(emsk, gbig_ref[...], preferred_element_type=jnp.float32)
  raw = jnp.sum((vmg * et).reshape(BM, H, C), axis=1)
  out_ref[...] = raw * (1.0 / s)


def _passD(nv, nbr4, y3, m32, g1, sc1, sh1, wd2, bd2, sc3t, sh3t, w2bd,
           ba2t, m8, gbig):
  return pl.pallas_call(
      _passD_body,
      grid=(GRID,),
      in_specs=[
          pl.BlockSpec((BE, C), lambda i: (i, 0)),
          pl.BlockSpec((BE * 4 // C, C), lambda i: (i, 0)),
          pl.BlockSpec((BE * CPG // C, C), lambda i: (i, 0)),
          _SMALL((H, C)),
          _SMALL((C, C // 4)),
          _SMALL((1, C // 4)),
          _SMALL((1, C // 4)),
          _SMALL((C // 4, C)),
          _SMALL((1, C)),
          _SMALL((1, C)),
          _SMALL((1, C)),
          _SMALL((C, C)),
          _SMALL((1, C)),
          _SMALL((H, C)),
          _SMALL((C, C)),
      ],
      out_specs=pl.BlockSpec((BM, C), lambda i: (i, 0)),
      out_shape=jax.ShapeDtypeStruct((N, C), jnp.float32),
  )(nv, nbr4, y3, m32, g1, sc1, sh1, wd2, bd2, sc3t, sh3t, w2bd, ba2t,
    m8, gbig)


def _bn_affine(sums, gamma, beta, bias):
  mean = sums[0] / EDGES
  var = sums[1] / EDGES - mean * mean
  rstd = lax.rsqrt(var + EPS)
  sc = rstd * gamma
  sh = (bias - mean) * sc + beta
  return sc.reshape(1, -1), sh.reshape(1, -1)


def kernel(q_pts, s_pts, s_feats, neighb_inds, Wq, bq, Wk, bk, Wv, bv, Wd1,
           bd1, g_d1, be_d1, Wd2, bd2, g_a0, be_a0, Wa1, ba1, g_a1, be_a1,
           Wa2, ba2):
  inds_flat = neighb_inds.reshape(-1)
  inds0 = neighb_inds[:, 0]
  px, py, pz = s_pts[:, 0], s_pts[:, 1], s_pts[:, 2]
  qx, qy, qz = q_pts[:, 0], q_pts[:, 1], q_pts[:, 2]
  wd1p = jnp.pad(Wd1, ((0, 1), (0, 0)))
  w_all = jnp.concatenate([Wq, Wk, Wv], axis=1)
  b_all = jnp.concatenate([bq, bk, bv]).reshape(1, 3 * C)
  tile_mat = jnp.tile(jnp.eye(CPG, dtype=jnp.float32), (1, C // CPG))
  g1 = jnp.tile(wd1p, (H, 1))
  lane = jnp.arange(C)
  m32 = (lane[None, :] // 4 == jnp.arange(H)[:, None]).astype(jnp.float32)
  m8 = (lane[None, :] // CPG
        == (jnp.arange(H) % 8)[:, None]).astype(jnp.float32)
  gbig = jnp.tile(jnp.eye(CPG, dtype=jnp.float32), (C // CPG, C // CPG))
  w2bd = jnp.kron(jnp.eye(C // CPG, dtype=jnp.float32), Wa2)

  qtab, kvtab = _qkv(s_feats, w_all, b_all)

  nkv, nbr_flat, q_sel = _sc_gather(inds_flat, inds0, kvtab, qtab,
                                    px, py, pz, qx, qy, qz)
  nbr4 = nbr_flat.reshape(EDGES * 4 // C, C)

  sumsA = _passA(nbr4, m32, g1, bd1.reshape(1, -1))
  sc1, sh1 = _bn_affine(sumsA, g_d1, be_d1, bd1)
  bd2r = bd2.reshape(1, C)

  sumsB = _passB(nkv, nbr4, q_sel, m32, g1, sc1, sh1, Wd2, bd2r)
  mean2 = sumsB[0] / EDGES
  var2 = sumsB[1] / EDGES - mean2 * mean2
  rstd2 = lax.rsqrt(var2 + EPS)
  sc2 = (rstd2 * g_a0).reshape(1, C)
  sh2 = (be_a0 - mean2 * rstd2 * g_a0).reshape(1, C)

  y3, sumsC = _passC(nkv, nbr4, q_sel, m32, g1, sc1, sh1, Wd2, bd2r, sc2,
                     sh2, Wa1, ba1.reshape(1, CPG), tile_mat, m8)
  sc3, sh3 = _bn_affine(sumsC, g_a1, be_a1, jnp.zeros((CPG,), jnp.float32))
  sc3t = jnp.tile(sc3, (1, C // CPG))
  sh3t = jnp.tile(sh3, (1, C // CPG))
  ba2t = jnp.tile(ba2, C // CPG).reshape(1, C)

  out = _passD(nkv, nbr4, y3, m32, g1, sc1, sh1, Wd2, bd2r, sc3t, sh3t,
               w2bd, ba2t, m8, gbig)
  return out

# --- scband reference (transcript-rebuilt; emitter-appended) ---
"""Pipeline reference for scband-point-transformer-13443247637193 (READ-ONLY COPY).

The authoritative reference and input builder live on the scoring server;
editing this copy changes nothing except your own understanding.
"""

import jax, jax.numpy as jnp
import numpy as np

N = 10000
H = 32
CIN = 128
C = 128
G = 8
CPG = C // G
R = 4

def leaky(x):
    return jnp.where(x >= 0, x, 0.1 * x)

def bnorm(x, gamma, beta, eps=1e-5):
    axes = tuple(range(x.ndim - 1))
    mean = jnp.mean(x, axis=axes, keepdims=True)
    var = jnp.var(x, axis=axes, keepdims=True)
    return (x - mean) / jnp.sqrt(var + eps) * gamma + beta

def setup_inputs(seed: int = 0):
    key = jax.random.key(seed)
    ks = jax.random.split(key, 16)
    def lin(k, fi, fo):
        return (jax.random.normal(k, (fi, fo), dtype=jnp.float32) / np.sqrt(fi)).astype(jnp.float32)
    inp = {}
    inp['q_pts'] = jax.random.normal(ks[0], (N, 3), dtype=jnp.float32)
    inp['s_pts'] = jax.random.normal(ks[1], (N, 3), dtype=jnp.float32)
    inp['s_feats'] = jax.random.normal(ks[2], (N, CIN), dtype=jnp.float32)
    inp['neighb_inds'] = jax.random.randint(ks[3], (N, H), 0, N, dtype=jnp.int32)
    inp['Wq'] = lin(ks[4], CIN, C); inp['bq'] = jnp.zeros((C,), jnp.float32)
    inp['Wk'] = lin(ks[5], CIN, C); inp['bk'] = jnp.zeros((C,), jnp.float32)
    inp['Wv'] = lin(ks[6], CIN, C); inp['bv'] = jnp.zeros((C,), jnp.float32)
    inp['Wd1'] = lin(ks[7], 3, C // R); inp['bd1'] = jnp.zeros((C // R,), jnp.float32)
    inp['g_d1'] = jnp.ones((C // R,), jnp.float32); inp['be_d1'] = jnp.zeros((C // R,), jnp.float32)
    inp['Wd2'] = lin(ks[8], C // R, C); inp['bd2'] = jnp.zeros((C,), jnp.float32)
    inp['g_a0'] = jnp.ones((C,), jnp.float32); inp['be_a0'] = jnp.zeros((C,), jnp.float32)
    inp['Wa1'] = lin(ks[9], C, CPG); inp['ba1'] = jnp.zeros((CPG,), jnp.float32)
    inp['g_a1'] = jnp.ones((CPG,), jnp.float32); inp['be_a1'] = jnp.zeros((CPG,), jnp.float32)
    inp['Wa2'] = lin(ks[10], CPG, CPG); inp['ba2'] = jnp.zeros((CPG,), jnp.float32)
    return inp

def reference(q_pts, s_pts, s_feats, neighb_inds, Wq, bq, Wk, bk, Wv, bv, Wd1, bd1, g_d1, be_d1, Wd2, bd2, g_a0, be_a0, Wa1, ba1, g_a1, be_a1, Wa2, ba2):
    M = q_pts.shape[0]
    Hn = neighb_inds.shape[1]
    # values
    v_feats = s_feats @ Wv + bv
    padded_v = jnp.concatenate([v_feats, jnp.zeros_like(v_feats[:1])], axis=0)
    neighb_v = jnp.take(padded_v, neighb_inds, axis=0)  # (M, H, C)
    # keys
    k_feats = s_feats @ Wk + bk
    padded_k = jnp.concatenate([k_feats, jnp.zeros_like(k_feats[:1])], axis=0)
    neighb_k = jnp.take(padded_k, neighb_inds, axis=0)  # (M, H, C)
    # geometry (computed under torch.no_grad in original)
    s_pts_p = jnp.concatenate([s_pts, jnp.zeros_like(s_pts[:1])], axis=0)
    neighbors = jnp.take(s_pts_p, neighb_inds, axis=0) - q_pts[:, None, :]
    neighbors = jax.lax.stop_gradient(neighbors)
    # delta MLP: Linear(3,C/4)+BN+LeakyReLU, Linear(C/4,C)
    hgeo = leaky(bnorm(neighbors @ Wd1 + bd1, g_d1, be_d1))
    geom = hgeo @ Wd2 + bd2
    geom2 = geom  # double_delta=False
    # geom_mode == 'sub'
    neighb_v = neighb_v - geom
    # gamma_mlp is Identity for geom_mode='sub'
    q_feats = s_feats @ Wq + bq
    # original pads s_pts in-place so q_pts.shape[0] != s_pts.shape[0] is always True -> 'nearest' stride path
    padded_q = jnp.concatenate([q_feats, jnp.zeros_like(q_feats[:1])], axis=0)
    q_sel = jnp.take(padded_q, neighb_inds[:, 0], axis=0)  # (M, C)
    qk = q_sel[:, None, :] - neighb_k  # use_k_feats=True
    qk = qk - geom2  # geom_mode 'sub'
    # alpha MLP: NormBlock+LeakyReLU, UnaryBlock(Linear(C,CpG)+BN+LeakyReLU), Linear(CpG,CpG)
    a = leaky(bnorm(qk, g_a0, be_a0))
    a = leaky(bnorm(a @ Wa1 + ba1, g_a1, be_a1))
    a = a @ Wa2 + ba2  # (M, H, CpG)
    attn = jax.nn.softmax(a, axis=1)
    # all neighb_inds < N so no shadow-neighbor masking
    nv = neighb_v.reshape(M, Hn, G, CPG)
    out = jnp.sum(nv * attn[:, :, None, :], axis=1)  # (M, G, CpG)
    return out.reshape(M, C)

if __name__ == "__main__":
    import jax
    _d = setup_inputs()
    print(jax.jit(kernel)(*tuple(_d.values())))

</pallas_src>

<mosaic_0001>
#map = affine_map<(d0, d1) -> (0)>
#map1 = affine_map<(d0, d1) -> (0, 0)>
module attributes {stable_mosaic.version = 14 : i64} {
  func.func @gather_kernel(%arg0: i32, %arg1: i32, %arg2: memref<320000xi32, #tpu.memory_space<hbm>>, %arg3: memref<10000xi32, #tpu.memory_space<hbm>>, %arg4: memref<10000x128xf32, #tpu.memory_space<hbm>>, %arg5: memref<10000x128xf32, #tpu.memory_space<hbm>>, %arg6: memref<10000xf32, #tpu.memory_space<hbm>>, %arg7: memref<10000xf32, #tpu.memory_space<hbm>>, %arg8: memref<10000xf32, #tpu.memory_space<hbm>>, %arg9: memref<10000xf32, #tpu.memory_space<hbm>>, %arg10: memref<10000xf32, #tpu.memory_space<hbm>>, %arg11: memref<10000xf32, #tpu.memory_space<hbm>>, %arg12: memref<320000x128xf32, #tpu.memory_space<hbm>>, %arg13: memref<1280000xf32, #tpu.memory_space<hbm>>, %arg14: memref<10000x128xf32, #tpu.memory_space<hbm>>, %arg15: memref<10000xi32, #tpu.memory_space<vmem>>, %arg16: memref<80xi32, #tpu.memory_space<vmem>>, %arg17: memref<80x128xf32, #tpu.memory_space<vmem>>, %arg18: memref<80x128xf32, #tpu.memory_space<vmem>>, %arg19: memref<320xf32, #tpu.memory_space<vmem>>, %arg20: memref<320xf32, #tpu.memory_space<vmem>>, %arg21: memref<10000xf32, #tpu.memory_space<vmem>>, %arg22: memref<10000xf32, #tpu.memory_space<vmem>>, %arg23: memref<10000xf32, #tpu.memory_space<vmem>>, %arg24: memref<10000xf32, #tpu.memory_space<vmem>>, %arg25: memref<10000xf32, #tpu.memory_space<vmem>>, %arg26: memref<10000xf32, #tpu.memory_space<vmem>>, %arg27: memref<!tpu.dma_semaphore, #tpu.memory_space<semaphore_mem>>, %arg28: memref<!tpu.dma_semaphore, #tpu.memory_space<semaphore_mem>>) attributes {dimension_semantics = [#tpu.dimension_semantics<core_parallel>, #tpu.dimension_semantics<subcore_parallel>], iteration_bounds = array<i64: 2, 16>, scalar_prefetch = 0 : i64, scratch_operands = 14 : i64, tpu.core_type = #tpu.core_type<sc_vector_subcore>, window_params = [{transform_indices = #map}, {transform_indices = #map}, {transform_indices = #map1}, {transform_indices = #map1}, {transform_indices = #map}, {transform_indices = #map}, {transform_indices = #map}, {transform_indices = #map}, {transform_indices = #map}, {transform_indices = #map}, {transform_indices = #map1}, {transform_indices = #map}, {transform_indices = #map1}]} {
    %mul3A = arith.constant 2 : i32
    %mul3A_0 = arith.muli %arg1, %mul3A : i32
    %add3A = arith.addi %mul3A_0, %arg0 : i32
    %mul3A_1 = arith.constant 10000 : i32
    %mul3A_2 = arith.muli %add3A, %mul3A_1 : i32
    %iota3A = tpu.iota {dimensions = array<i32: 0>} : vector<16xi32>
    %broadcast_in_dim3A = arith.constant 0.000000e+00 : f32
    %broadcast_in_dim3A_3 = vector.broadcast %broadcast_in_dim3A : f32 to vector<16xf32>
    "tpu.region"() ({
      %run_scoped3A = tpu.sem_alloc : memref<!tpu.dma_semaphore, #tpu.memory_space<semaphore_mem>>
      %dma_start3A_192 = tpu.memref_slice %arg2[%mul3A_2] : memref<320000xi32, #tpu.memory_space<hbm>> -> memref<10000xi32, #tpu.memory_space<hbm>>
      %dma_start3A_193 = tpu.memref_slice %arg2[%mul3A_2] : memref<320000xi32, #tpu.memory_space<hbm>> -> memref<10000xi32, #tpu.memory_space<hbm>>
      tpu.enqueue_dma source(%dma_start3A_193 : memref<10000xi32, #tpu.memory_space<hbm>>) target(%arg15 : memref<10000xi32, #tpu.memory_space<vmem>>) target_semaphore(%run_scoped3A : memref<!tpu.dma_semaphore, #tpu.memory_space<semaphore_mem>>)
      %dma_wait3A_194 = tpu.memref_slice %arg2[%mul3A_2] : memref<320000xi32, #tpu.memory_space<hbm>> -> memref<10000xi32, #tpu.memory_space<hbm>>
      %dma_wait3A_195 = tpu.memref_slice %arg2[%mul3A_2] : memref<320000xi32, #tpu.memory_space<hbm>> -> memref<10000xi32, #tpu.memory_space<hbm>>
      tpu.wait_dma2 semaphore(%run_scoped3A : memref<!tpu.dma_semaphore, #tpu.memory_space<semaphore_mem>>) src(%dma_wait3A_195 : memref<10000xi32, #tpu.memory_space<hbm>>) dst(%arg15 : memref<10000xi32, #tpu.memory_space<vmem>>)
      tpu.yield
    }) : () -> ()
    "tpu.region"() ({
      %run_scoped3A = tpu.sem_alloc : memref<!tpu.dma_semaphore, #tpu.memory_space<semaphore_mem>>
      tpu.enqueue_dma source(%arg6 : memref<10000xf32, #tpu.memory_space<hbm>>) target(%arg21 : memref<10000xf32, #tpu.memory_space<vmem>>) target_semaphore(%run_scoped3A : memref<!tpu.dma_semaphore, #tpu.memory_space<semaphore_mem>>)
      tpu.wait_dma2 semaphore(%run_scoped3A : memref<!tpu.dma_semaphore, #tpu.memory_space<semaphore_mem>>) src(%arg6 : memref<10000xf32, #tpu.memory_space<hbm>>) dst(%arg21 : memref<10000xf32, #tpu.memory_space<vmem>>)
      tpu.yield
    }) : () -> ()
    "tpu.region"() ({
      %run_scoped3A = tpu.sem_alloc : memref<!tpu.dma_semaphore, #tpu.memory_space<semaphore_mem>>
      tpu.enqueue_dma source(%arg7 : memref<10000xf32, #tpu.memory_space<hbm>>) target(%arg22 : memref<10000xf32, #tpu.memory_space<vmem>>) target_semaphore(%run_scoped3A : memref<!tpu.dma_semaphore, #tpu.memory_space<semaphore_mem>>)
      tpu.wait_dma2 semaphore(%run_scoped3A : memref<!tpu.dma_semaphore, #tpu.memory_space<semaphore_mem>>) src(%arg7 : memref<10000xf32, #tpu.memory_space<hbm>>) dst(%arg22 : memref<10000xf32, #tpu.memory_space<vmem>>)
      tpu.yield
    }) : () -> ()
    "tpu.region"() ({
      %run_scoped3A = tpu.sem_alloc : memref<!tpu.dma_semaphore, #tpu.memory_space<semaphore_mem>>
      tpu.enqueue_dma source(%arg8 : memref<10000xf32, #tpu.memory_space<hbm>>) target(%arg23 : memref<10000xf32, #tpu.memory_space<vmem>>) target_semaphore(%run_scoped3A : memref<!tpu.dma_semaphore, #tpu.memory_space<semaphore_mem>>)
      tpu.wait_dma2 semaphore(%run_scoped3A : memref<!tpu.dma_semaphore, #tpu.memory_space<semaphore_mem>>) src(%arg8 : memref<10000xf32, #tpu.memory_space<hbm>>) dst(%arg23 : memref<10000xf32, #tpu.memory_space<vmem>>)
      tpu.yield
    }) : () -> ()
    "tpu.region"() ({
      %run_scoped3A = tpu.sem_alloc : memref<!tpu.dma_semaphore, #tpu.memory_space<semaphore_mem>>
      tpu.enqueue_dma source(%arg9 : memref<10000xf32, #tpu.memory_space<hbm>>) target(%arg24 : memref<10000xf32, #tpu.memory_space<vmem>>) target_semaphore(%run_scoped3A : memref<!tpu.dma_semaphore, #tpu.memory_space<semaphore_mem>>)
      tpu.wait_dma2 semaphore(%run_scoped3A : memref<!tpu.dma_semaphore, #tpu.memory_space<semaphore_mem>>) src(%arg9 : memref<10000xf32, #tpu.memory_space<hbm>>) dst(%arg24 : memref<10000xf32, #tpu.memory_space<vmem>>)
      tpu.yield
    }) : () -> ()
    "tpu.region"() ({
      %run_scoped3A = tpu.sem_alloc : memref<!tpu.dma_semaphore, #tpu.memory_space<semaphore_mem>>
      tpu.enqueue_dma source(%arg10 : memref<10000xf32, #tpu.memory_space<hbm>>) target(%arg25 : memref<10000xf32, #tpu.memory_space<vmem>>) target_semaphore(%run_scoped3A : memref<!tpu.dma_semaphore, #tpu.memory_space<semaphore_mem>>)
      tpu.wait_dma2 semaphore(%run_scoped3A : memref<!tpu.dma_semaphore, #tpu.memory_space<semaphore_mem>>) src(%arg10 : memref<10000xf32, #tpu.memory_space<hbm>>) dst(%arg25 : memref<10000xf32, #tpu.memory_space<vmem>>)
      tpu.yield
    }) : () -> ()
    "tpu.region"() ({
      %run_scoped3A = tpu.sem_alloc : memref<!tpu.dma_semaphore, #tpu.memory_space<semaphore_mem>>
      tpu.enqueue_dma source(%arg11 : memref<10000xf32, #tpu.memory_space<hbm>>) target(%arg26 : memref<10000xf32, #tpu.memory_space<vmem>>) target_semaphore(%run_scoped3A : memref<!tpu.dma_semaphore, #tpu.memory_space<semaphore_mem>>)
      tpu.wait_dma2 semaphore(%run_scoped3A : memref<!tpu.dma_semaphore, #tpu.memory_space<semaphore_mem>>) src(%arg11 : memref<10000xf32, #tpu.memory_space<hbm>>) dst(%arg26 : memref<10000xf32, #tpu.memory_space<vmem>>)
      tpu.yield
    }) : () -> ()
    %dma_start3A = arith.constant 0 : i32
    %dma_start3A_4 = tpu.memref_slice %arg15[%dma_start3A] : memref<10000xi32, #tpu.memory_space<vmem>> -> memref<80xi32, #tpu.memory_space<vmem>>
    %dma_start3A_5 = arith.constant 0 : i32
    %dma_start3A_6 = arith.constant 0 : i32
    %dma_start3A_7 = tpu.memref_slice %arg4[%dma_start3A_5, %dma_start3A_6] : memref<10000x128xf32, #tpu.memory_space<hbm>> -> memref<10000x128xf32, #tpu.memory_space<hbm>>
    tpu.enqueue_indirect_dma source(%dma_start3A_7 : memref<10000x128xf32, #tpu.memory_space<hbm>>) target(%arg17 : memref<80x128xf32, #tpu.memory_space<vmem>>) offsets(%dma_start3A_4 : memref<80xi32, #tpu.memory_space<vmem>>) semaphore(%arg27 : memref<!tpu.dma_semaphore, #tpu.memory_space<semaphore_mem>>)
    %scan3A = arith.constant 0 : i32
    %scan3A_8 = arith.constant 0 : i32
    %scan3A_9 = arith.constant 62 : i32
    %scan3A_10 = arith.addi %scan3A_8, %scan3A_9 : i32
    %scan3A_11 = arith.constant 1 : i32
    %scan3A_12 = scf.for %scan3A_192 = %scan3A_8 to %scan3A_10 step %scan3A_11 iter_args(%scan3A_193 = %scan3A) -> (i32)  : i32 {
      %mul3A_194 = arith.constant 2 : i32
      %mul3A_195 = arith.muli %mul3A_194, %scan3A_192 : i32
      %add3A_196 = arith.constant 1 : i32
      %add3A_197 = arith.addi %mul3A_195, %add3A_196 : i32
      %mul3A_198 = arith.constant 80 : i32
      %mul3A_199 = arith.muli %add3A_197, %mul3A_198 : i32
      %dma_start3A_200 = tpu.memref_slice %arg15[%mul3A_199] : memref<10000xi32, #tpu.memory_space<vmem>> -> memref<80xi32, #tpu.memory_space<vmem>>
      %dma_start3A_201 = arith.constant 0 : i32
      %dma_start3A_202 = arith.constant 0 : i32
      %dma_start3A_203 = tpu.memref_slice %arg4[%dma_start3A_201, %dma_start3A_202] : memref<10000x128xf32, #tpu.memory_space<hbm>> -> memref<10000x128xf32, #tpu.memory_space<hbm>>
      tpu.enqueue_indirect_dma source(%dma_start3A_203 : memref<10000x128xf32, #tpu.memory_space<hbm>>) target(%arg18 : memref<80x128xf32, #tpu.memory_space<vmem>>) offsets(%dma_start3A_200 : memref<80xi32, #tpu.memory_space<vmem>>) semaphore(%arg28 : memref<!tpu.dma_semaphore, #tpu.memory_space<semaphore_mem>>)
      %mul3A_204 = arith.constant 80 : i32
      %mul3A_205 = arith.muli %mul3A_195, %mul3A_204 : i32
      %add3A_206 = arith.addi %mul3A_2, %mul3A_205 : i32
      %mul3A_207 = arith.constant 80 : i32
      %mul3A_208 = arith.muli %mul3A_195, %mul3A_207 : i32
      %add3A_209 = arith.constant 0 : i32
      %add3A_210 = arith.addi %mul3A_208, %add3A_209 : i32
      %get3A_211 = arith.index_cast %add3A_210 : i32 to index
      %get3A_212 = tpu.vector_load %arg15[%get3A_211] {strides = array<i32>} : memref<10000xi32, #tpu.memory_space<vmem>>, vector<16xi32>,
      %add3A_213 = arith.constant 0 : i32
      %add3A_214 = arith.addi %add3A_206, %add3A_213 : i32
      %broadcast_in_dim3A_215 = vector.broadcast %add3A_214 : i32 to vector<16xi32>
      %add3A_216 = arith.addi %broadcast_in_dim3A_215, %iota3A : vector<16xi32>
      %shift_right_logical3A_217 = arith.constant 5 : i32
      %shift_right_logical3A_218 = vector.broadcast %shift_right_logical3A_217 : i32 to vector<16xi32>
      %shift_right_logical3A_219 = arith.shrui %add3A_216, %shift_right_logical3A_218 : vector<16xi32>
      %mul3A_220 = arith.constant 4 : i32
      %mul3A_221 = vector.broadcast %mul3A_220 : i32 to vector<16xi32>
      %mul3A_222 = arith.muli %iota3A, %mul3A_221 : vector<16xi32>
      %add3A_223 = arith.constant 0 : i32
      %add3A_224 = vector.broadcast %add3A_223 : i32 to vector<16xi32>
      %add3A_225 = arith.addi %mul3A_222, %add3A_224 : vector<16xi32>
      %gather3A_226 = tpu.vector_load_idx %arg21[%get3A_212] : memref<10000xf32, #tpu.memory_space<vmem>>[vector<16xi32>], vector<16xf32>,
      %gather3A_227 = tpu.vector_load_idx %arg24[%shift_right_logical3A_219] : memref<10000xf32, #tpu.memory_space<vmem>>[vector<16xi32>], vector<16xf32>,
      %sub3A_228 = arith.subf %gather3A_226, %gather3A_227 : vector<16xf32>
      tpu.vector_store_idx %arg19[%add3A_225], %sub3A_228 : memref<320xf32, #tpu.memory_space<vmem>>[vector<16xi32>], vector<16xf32>,
      %add3A_229 = arith.constant 1 : i32
      %add3A_230 = vector.broadcast %add3A_229 : i32 to vector<16xi32>
      %add3A_231 = arith.addi %add3A_225, %add3A_230 : vector<16xi32>
      %gather3A_232 = tpu.vector_load_idx %arg22[%get3A_212] : memref<10000xf32, #tpu.memory_space<vmem>>[vector<16xi32>], vector<16xf32>,
      %gather3A_233 = tpu.vector_load_idx %arg25[%shift_right_logical3A_219] : memref<10000xf32, #tpu.memory_space<vmem>>[vector<16xi32>], vector<16xf32>,
      %sub3A_234 = arith.subf %gather3A_232, %gather3A_233 : vector<16xf32>
      tpu.vector_store_idx %arg19[%add3A_231], %sub3A_234 : memref<320xf32, #tpu.memory_space<vmem>>[vector<16xi32>], vector<16xf32>,
      %add3A_235 = arith.constant 2 : i32
      %add3A_236 = vector.broadcast %add3A_235 : i32 to vector<16xi32>
      %add3A_237 = arith.addi %add3A_225, %add3A_236 : vector<16xi32>
      %gather3A_238 = tpu.vector_load_idx %arg23[%get3A_212] : memref<10000xf32, #tpu.memory_space<vmem>>[vector<16xi32>], vector<16xf32>,
      %gather3A_239 = tpu.vector_load_idx %arg26[%shift_right_logical3A_219] : memref<10000xf32, #tpu.memory_space<vmem>>[vector<16xi32>], vector<16xf32>,
      %sub3A_240 = arith.subf %gather3A_238, %gather3A_239 : vector<16xf32>
      tpu.vector_store_idx %arg19[%add3A_237], %sub3A_240 : memref<320xf32, #tpu.memory_space<vmem>>[vector<16xi32>], vector<16xf32>,
      %add3A_241 = arith.constant 3 : i32
      %add3A_242 = vector.broadcast %add3A_241 : i32 to vector<16xi32>
      %add3A_243 = arith.addi %add3A_225, %add3A_242 : vector<16xi32>
      tpu.vector_store_idx %arg19[%add3A_243], %broadcast_in_dim3A_3 : memref<320xf32, #tpu.memory_space<vmem>>[vector<16xi32>], vector<16xf32>,
      %mul3A_244 = arith.constant 80 : i32
      %mul3A_245 = arith.muli %mul3A_195, %mul3A_244 : i32
      %add3A_246 = arith.constant 16 : i32
      %add3A_247 = arith.addi %mul3A_245, %add3A_246 : i32
      %get3A_248 = arith.index_cast %add3A_247 : i32 to index
      %get3A_249 = tpu.vector_load %arg15[%get3A_248] {strides = array<i32>} : memref<10000xi32, #tpu.memory_space<vmem>>, vector<16xi32>,
      %add3A_250 = arith.constant 16 : i32
      %add3A_251 = arith.addi %add3A_206, %add3A_250 : i32
      %broadcast_in_dim3A_252 = vector.broadcast %add3A_251 : i32 to vector<16xi32>
      %add3A_253 = arith.addi %broadcast_in_dim3A_252, %iota3A : vector<16xi32>
      %shift_right_logical3A_254 = arith.constant 5 : i32
      %shift_right_logical3A_255 = vector.broadcast %shift_right_logical3A_254 : i32 to vector<16xi32>
      %shift_right_logical3A_256 = arith.shrui %add3A_253, %shift_right_logical3A_255 : vector<16xi32>
      %mul3A_257 = arith.constant 4 : i32
      %mul3A_258 = vector.broadcast %mul3A_257 : i32 to vector<16xi32>
      %mul3A_259 = arith.muli %iota3A, %mul3A_258 : vector<16xi32>
      %add3A_260 = arith.constant 64 : i32
      %add3A_261 = vector.broadcast %add3A_260 : i32 to vector<16xi32>
      %add3A_262 = arith.addi %mul3A_259, %add3A_261 : vector<16xi32>
      %gather3A_263 = tpu.vector_load_idx %arg21[%get3A_249] : memref<10000xf32, #tpu.memory_space<vmem>>[vector<16xi32>], vector<16xf32>,
      %gather3A_264 = tpu.vector_load_idx %arg24[%shift_right_logical3A_256] : memref<10000xf32, #tpu.memory_space<vmem>>[vector<16xi32>], vector<16xf32>,
      %sub3A_265 = arith.subf %gather3A_263, %gather3A_264 : vector<16xf32>
      tpu.vector_store_idx %arg19[%add3A_262], %sub3A_265 : memref<320xf32, #tpu.memory_space<vmem>>[vector<16xi32>], vector<16xf32>,
      %add3A_266 = arith.constant 1 : i32
      %add3A_267 = vector.broadcast %add3A_266 : i32 to vector<16xi32>
      %add3A_268 = arith.addi %add3A_262, %add3A_267 : vector<16xi32>
      %gather3A_269 = tpu.vector_load_idx %arg22[%get3A_249] : memref<10000xf32, #tpu.memory_space<vmem>>[vector<16xi32>], vector<16xf32>,
      %gather3A_270 = tpu.vector_load_idx %arg25[%shift_right_logical3A_256] : memref<10000xf32, #tpu.memory_space<vmem>>[vector<16xi32>], vector<16xf32>,
      %sub3A_271 = arith.subf %gather3A_269, %gather3A_270 : vector<16xf32>
      tpu.vector_store_idx %arg19[%add3A_268], %sub3A_271 : memref<320xf32, #tpu.memory_space<vmem>>[vector<16xi32>], vector<16xf32>,
      %add3A_272 = arith.constant 2 : i32
      %add3A_273 = vector.broadcast %add3A_272 : i32 to vector<16xi32>
      %add3A_274 = arith.addi %add3A_262, %add3A_273 : vector<16xi32>
      %gather3A_275 = tpu.vector_load_idx %arg23[%get3A_249] : memref<10000xf32, #tpu.memory_space<vmem>>[vector<16xi32>], vector<16xf32>,
      %gather3A_276 = tpu.vector_load_idx %arg26[%shift_right_logical3A_256] : memref<10000xf32, #tpu.memory_space<vmem>>[vector<16xi32>], vector<16xf32>,
      %sub3A_277 = arith.subf %gather3A_275, %gather3A_276 : vector<16xf32>
      tpu.vector_store_idx %arg19[%add3A_274], %sub3A_277 : memref<320xf32, #tpu.memory_space<vmem>>[vector<16xi32>], vector<16xf32>,
      %add3A_278 = arith.constant 3 : i32
      %add3A_279 = vector.broadcast %add3A_278 : i32 to vector<16xi32>
      %add3A_280 = arith.addi %add3A_262, %add3A_279 : vector<16xi32>
      tpu.vector_store_idx %arg19[%add3A_280], %broadcast_in_dim3A_3 : memref<320xf32, #tpu.memory_space<vmem>>[vector<16xi32>], vector<16xf32>,
      %mul3A_281 = arith.constant 80 : i32
      %mul3A_282 = arith.muli %mul3A_195, %mul3A_281 : i32
      %add3A_283 = arith.constant 32 : i32
      %add3A_284 = arith.addi %mul3A_282, %add3A_283 : i32
      %get3A_285 = arith.index_cast %add3A_284 : i32 to index
      %get3A_286 = tpu.vector_load %arg15[%get3A_285] {strides = array<i32>} : memref<10000xi32, #tpu.memory_space<vmem>>, vector<16xi32>,
      %add3A_287 = arith.constant 32 : i32
      %add3A_288 = arith.addi %add3A_206, %add3A_287 : i32
      %broadcast_in_dim3A_289 = vector.broadcast %add3A_288 : i32 to vector<16xi32>
      %add3A_290 = arith.addi %broadcast_in_dim3A_289, %iota3A : vector<16xi32>
      %shift_right_logical3A_291 = arith.constant 5 : i32
      %shift_right_logical3A_292 = vector.broadcast %shift_right_logical3A_291 : i32 to vector<16xi32>
      %shift_right_logical3A_293 = arith.shrui %add3A_290, %shift_right_logical3A_292 : vector<16xi32>
      %mul3A_294 = arith.constant 4 : i32
      %mul3A_295 = vector.broadcast %mul3A_294 : i32 to vector<16xi32>
      %mul3A_296 = arith.muli %iota3A, %mul3A_295 : vector<16xi32>
      %add3A_297 = arith.constant 128 : i32
      %add3A_298 = vector.broadcast %add3A_297 : i32 to vector<16xi32>
      %add3A_299 = arith.addi %mul3A_296, %add3A_298 : vector<16xi32>
      %gather3A_300 = tpu.vector_load_idx %arg21[%get3A_286] : memref<10000xf32, #tpu.memory_space<vmem>>[vector<16xi32>], vector<16xf32>,
      %gather3A_301 = tpu.vector_load_idx %arg24[%shift_right_logical3A_293] : memref<10000xf32, #tpu.memory_space<vmem>>[vector<16xi32>], vector<16xf32>,
      %sub3A_302 = arith.subf %gather3A_300, %gather3A_301 : vector<16xf32>
      tpu.vector_store_idx %arg19[%add3A_299], %sub3A_302 : memref<320xf32, #tpu.memory_space<vmem>>[vector<16xi32>], vector<16xf32>,
      %add3A_303 = arith.constant 1 : i32
      %add3A_304 = vector.broadcast %add3A_303 : i32 to vector<16xi32>
      %add3A_305 = arith.addi %add3A_299, %add3A_304 : vector<16xi32>
      %gather3A_306 = tpu.vector_load_idx %arg22[%get3A_286] : memref<10000xf32, #tpu.memory_space<vmem>>[vector<16xi32>], vector<16xf32>,
      %gather3A_307 = tpu.vector_load_idx %arg25[%shift_right_logical3A_293] : memref<10000xf32, #tpu.memory_space<vmem>>[vector<16xi32>], vector<16xf32>,
      %sub3A_308 = arith.subf %gather3A_306, %gather3A_307 : vector<16xf32>
      tpu.vector_store_idx %arg19[%add3A_305], %sub3A_308 : memref<320xf32, #tpu.memory_space<vmem>>[vector<16xi32>], vector<16xf32>,
      %add3A_309 = arith.constant 2 : i32
      %add3A_310 = vector.broadcast %add3A_309 : i32 to vector<16xi32>
      %add3A_311 = arith.addi %add3A_299, %add3A_310 : vector<16xi32>
      %gather3A_312 = tpu.vector_load_idx %arg23[%get3A_286] : memref<10000xf32, #tpu.memory_space<vmem>>[vector<16xi32>], vector<16xf32>,
      %gather3A_313 = tpu.vector_load_idx %arg26[%shift_right_logical3A_293] : memref<10000xf32, #tpu.memory_space<vmem>>[vector<16xi32>], vector<16xf32>,
      %sub3A_314 = arith.subf %gather3A_312, %gather3A_313 : vector<16xf32>
      tpu.vector_store_idx %arg19[%add3A_311], %sub3A_314 : memref<320xf32, #tpu.memory_space<vmem>>[vector<16xi32>], vector<16xf32>,
      %add3A_315 = arith.constant 3 : i32
      %add3A_316 = vector.broadcast %add3A_315 : i32 to vector<16xi32>
      %add3A_317 = arith.addi %add3A_299, %add3A_316 : vector<16xi32>
      tpu.vector_store_idx %arg19[%add3A_317], %broadcast_in_dim3A_3 : memref<320xf32, #tpu.memory_space<vmem>>[vector<16xi32>], vector<16xf32>,
      %mul3A_318 = arith.constant 80 : i32
      %mul3A_319 = arith.muli %mul3A_195, %mul3A_318 : i32
      %add3A_320 = arith.constant 48 : i32
      %add3A_321 = arith.addi %mul3A_319, %add3A_320 : i32
      %get3A_322 = arith.index_cast %add3A_321 : i32 to index
      %get3A_323 = tpu.vector_load %arg15[%get3A_322] {strides = array<i32>} : memref<10000xi32, #tpu.memory_space<vmem>>, vector<16xi32>,
      %add3A_324 = arith.constant 48 : i32
      %add3A_325 = arith.addi %add3A_206, %add3A_324 : i32
      %broadcast_in_dim3A_326 = vector.broadcast %add3A_325 : i32 to vector<16xi32>
      %add3A_327 = arith.addi %broadcast_in_dim3A_326, %iota3A : vector<16xi32>
      %shift_right_logical3A_328 = arith.constant 5 : i32
      %shift_right_logical3A_329 = vector.broadcast %shift_right_logical3A_328 : i32 to vector<16xi32>
      %shift_right_logical3A_330 = arith.shrui %add3A_327, %shift_right_logical3A_329 : vector<16xi32>
      %mul3A_331 = arith.constant 4 : i32
      %mul3A_332 = vector.broadcast %mul3A_331 : i32 to vector<16xi32>
      %mul3A_333 = arith.muli %iota3A, %mul3A_332 : vector<16xi32>
      %add3A_334 = arith.constant 192 : i32
      %add3A_335 = vector.broadcast %add3A_334 : i32 to vector<16xi32>
      %add3A_336 = arith.addi %mul3A_333, %add3A_335 : vector<16xi32>
      %gather3A_337 = tpu.vector_load_idx %arg21[%get3A_323] : memref<10000xf32, #tpu.memory_space<vmem>>[vector<16xi32>], vector<16xf32>,
      %gather3A_338 = tpu.vector_load_idx %arg24[%shift_right_logical3A_330] : memref<10000xf32, #tpu.memory_space<vmem>>[vector<16xi32>], vector<16xf32>,
      %sub3A_339 = arith.subf %gather3A_337, %gather3A_338 : vector<16xf32>
      tpu.vector_store_idx %arg19[%add3A_336], %sub3A_339 : memref<320xf32, #tpu.memory_space<vmem>>[vector<16xi32>], vector<16xf32>,
      %add3A_340 = arith.constant 1 : i32
      %add3A_341 = vector.broadcast %add3A_340 : i32 to vector<16xi32>
      %add3A_342 = arith.addi %add3A_336, %add3A_341 : vector<16xi32>
      %gather3A_343 = tpu.vector_load_idx %arg22[%get3A_323] : memref<10000xf32, #tpu.memory_space<vmem>>[vector<16xi32>], vector<16xf32>,
      %gather3A_344 = tpu.vector_load_idx %arg25[%shift_right_logical3A_330] : memref<10000xf32, #tpu.memory_space<vmem>>[vector<16xi32>], vector<16xf32>,
      %sub3A_345 = arith.subf %gather3A_343, %gather3A_344 : vector<16xf32>
      tpu.vector_store_idx %arg19[%add3A_342], %sub3A_345 : memref<320xf32, #tpu.memory_space<vmem>>[vector<16xi32>], vector<16xf32>,
      %add3A_346 = arith.constant 2 : i32
      %add3A_347 = vector.broadcast %add3A_346 : i32 to vector<16xi32>
      %add3A_348 = arith.addi %add3A_336, %add3A_347 : vector<16xi32>
      %gather3A_349 = tpu.vector_load_idx %arg23[%get3A_323] : memref<10000xf32, #tpu.memory_space<vmem>>[vector<16xi32>], vector<16xf32>,
      %gather3A_350 = tpu.vector_load_idx %arg26[%shift_right_logical3A_330] : memref<10000xf32, #tpu.memory_space<vmem>>[vector<16xi32>], vector<16xf32>,
      %sub3A_351 = arith.subf %gather3A_349, %gather3A_350 : vector<16xf32>
      tpu.vector_store_idx %arg19[%add3A_348], %sub3A_351 : memref<320xf32, #tpu.memory_space<vmem>>[vector<16xi32>], vector<16xf32>,
      %add3A_352 = arith.constant 3 : i32
      %add3A_353 = vector.broadcast %add3A_352 : i32 to vector<16xi32>
      %add3A_354 = arith.addi %add3A_336, %add3A_353 : vector<16xi32>
      tpu.vector_store_idx %arg19[%add3A_354], %broadcast_in_dim3A_3 : memref<320xf32, #tpu.memory_space<vmem>>[vector<16xi32>], vector<16xf32>,
      %mul3A_355 = arith.constant 80 : i32
      %mul3A_356 = arith.muli %mul3A_195, %mul3A_355 : i32
      %add3A_357 = arith.constant 64 : i32
      %add3A_358 = arith.addi %mul3A_356, %add3A_357 : i32
      %get3A_359 = arith.index_cast %add3A_358 : i32 to index
      %get3A_360 = tpu.vector_load %arg15[%get3A_359] {strides = array<i32>} : memref<10000xi32, #tpu.memory_space<vmem>>, vector<16xi32>,
      %add3A_361 = arith.constant 64 : i32
      %add3A_362 = arith.addi %add3A_206, %add3A_361 : i32
      %broadcast_in_dim3A_363 = vector.broadcast %add3A_362 : i32 to vector<16xi32>
      %add3A_364 = arith.addi %broadcast_in_dim3A_363, %iota3A : vector<16xi32>
      %shift_right_logical3A_365 = arith.constant 5 : i32
      %shift_right_logical3A_366 = vector.broadcast %shift_right_logical3A_365 : i32 to vector<16xi32>
      %shift_right_logical3A_367 = arith.shrui %add3A_364, %shift_right_logical3A_366 : vector<16xi32>
      %mul3A_368 = arith.constant 4 : i32
      %mul3A_369 = vector.broadcast %mul3A_368 : i32 to vector<16xi32>
      %mul3A_370 = arith.muli %iota3A, %mul3A_369 : vector<16xi32>
      %add3A_371 = arith.constant 256 : i32
      %add3A_372 = vector.broadcast %add3A_371 : i32 to vector<16xi32>
      %add3A_373 = arith.addi %mul3A_370, %add3A_372 : vector<16xi32>
      %gather3A_374 = tpu.vector_load_idx %arg21[%get3A_360] : memref<10000xf32, #tpu.memory_space<vmem>>[vector<16xi32>], vector<16xf32>,
      %gather3A_375 = tpu.vector_load_idx %arg24[%shift_right_logical3A_367] : memref<10000xf32, #tpu.memory_space<vmem>>[vector<16xi32>], vector<16xf32>,
      %sub3A_376 = arith.subf %gather3A_374, %gather3A_375 : vector<16xf32>
      tpu.vector_store_idx %arg19[%add3A_373], %sub3A_376 : memref<320xf32, #tpu.memory_space<vmem>>[vector<16xi32>], vector<16xf32>,
      %add3A_377 = arith.constant 1 : i32
      %add3A_378 = vector.broadcast %add3A_377 : i32 to vector<16xi32>
      %add3A_379 = arith.addi %add3A_373, %add3A_378 : vector<16xi32>
      %gather3A_380 = tpu.vector_load_idx %arg22[%get3A_360] : memref<10000xf32, #tpu.memory_space<vmem>>[vector<16xi32>], vector<16xf32>,
      %gather3A_381 = tpu.vector_load_idx %arg25[%shift_right_logical3A_367] : memref<10000xf32, #tpu.memory_space<vmem>>[vector<16xi32>], vector<16xf32>,
      %sub3A_382 = arith.subf %gather3A_380, %gather3A_381 : vector<16xf32>
      tpu.vector_store_idx %arg19[%add3A_379], %sub3A_382 : memref<320xf32, #tpu.memory_space<vmem>>[vector<16xi32>], vector<16xf32>,
      %add3A_383 = arith.constant 2 : i32
      %add3A_384 = vector.broadcast %add3A_383 : i32 to vector<16xi32>
      %add3A_385 = arith.addi %add3A_373, %add3A_384 : vector<16xi32>
      %gather3A_386 = tpu.vector_load_idx %arg23[%get3A_360] : memref<10000xf32, #tpu.memory_space<vmem>>[vector<16xi32>], vector<16xf32>,
      %gather3A_387 = tpu.vector_load_idx %arg26[%shift_right_logical3A_367] : memref<10000xf32, #tpu.memory_space<vmem>>[vector<16xi32>], vector<16xf32>,
      %sub3A_388 = arith.subf %gather3A_386, %gather3A_387 : vector<16xf32>
      tpu.vector_store_idx %arg19[%add3A_385], %sub3A_388 : memref<320xf32, #tpu.memory_space<vmem>>[vector<16xi32>], vector<16xf32>,
      %add3A_389 = arith.constant 3 : i32
      %add3A_390 = vector.broadcast %add3A_389 : i32 to vector<16xi32>
      %add3A_391 = arith.addi %add3A_373, %add3A_390 : vector<16xi32>
      tpu.vector_store_idx %arg19[%add3A_391], %broadcast_in_dim3A_3 : memref<320xf32, #tpu.memory_space<vmem>>[vector<16xi32>], vector<16xf32>,
      %mul3A_392 = arith.constant 4 : i32
      %mul3A_393 = arith.muli %add3A_206, %mul3A_392 : i32
      "tpu.region"() ({
        %run_scoped3A = tpu.sem_alloc : memref<!tpu.dma_semaphore, #tpu.memory_space<semaphore_mem>>
        %dma_start3A_613 = tpu.memref_slice %arg13[%mul3A_393] : memref<1280000xf32, #tpu.memory_space<hbm>> -> memref<320xf32, #tpu.memory_space<hbm>>
        %dma_start3A_614 = tpu.memref_slice %arg13[%mul3A_393] : memref<1280000xf32, #tpu.memory_space<hbm>> -> memref<320xf32, #tpu.memory_space<hbm>>
        tpu.enqueue_dma source(%arg19 : memref<320xf32, #tpu.memory_space<vmem>>) target(%dma_start3A_614 : memref<320xf32, #tpu.memory_space<hbm>>) target_semaphore(%run_scoped3A : memref<!tpu.dma_semaphore, #tpu.memory_space<semaphore_mem>>)
        %dma_wait3A_615 = tpu.memref_slice %arg13[%mul3A_393] : memref<1280000xf32, #tpu.memory_space<hbm>> -> memref<320xf32, #tpu.memory_space<hbm>>
        %dma_wait3A_616 = tpu.memref_slice %arg13[%mul3A_393] : memref<1280000xf32, #tpu.memory_space<hbm>> -> memref<320xf32, #tpu.memory_space<hbm>>
        tpu.wait_dma2 semaphore(%run_scoped3A : memref<!tpu.dma_semaphore, #tpu.memory_space<semaphore_mem>>) src(%arg19 : memref<320xf32, #tpu.memory_space<vmem>>) dst(%dma_wait3A_616 : memref<320xf32, #tpu.memory_space<hbm>>)
        tpu.yield
      }) : () -> ()
      %dma_wait3A_394 = arith.constant 0 : i32
      %dma_wait3A_395 = tpu.memref_slice %arg15[%dma_wait3A_394] : memref<10000xi32, #tpu.memory_space<vmem>> -> memref<80xi32, #tpu.memory_space<vmem>>
      %dma_wait3A_396 = arith.constant 0 : i32
      %dma_wait3A_397 = arith.constant 0 : i32
      %dma_wait3A_398 = tpu.memref_slice %arg4[%dma_wait3A_396, %dma_wait3A_397] : memref<10000x128xf32, #tpu.memory_space<hbm>> -> memref<10000x128xf32, #tpu.memory_space<hbm>>
      tpu.wait_indirect_dma semaphore(%arg27 : memref<!tpu.dma_semaphore, #tpu.memory_space<semaphore_mem>>) src(%dma_wait3A_398 : memref<10000x128xf32, #tpu.memory_space<hbm>>) dst(%arg17 : memref<80x128xf32, #tpu.memory_space<vmem>>)
      %mul3A_399 = arith.constant 80 : i32
      %mul3A_400 = arith.muli %mul3A_195, %mul3A_399 : i32
      %add3A_401 = arith.addi %mul3A_2, %mul3A_400 : i32
      "tpu.region"() ({
        %run_scoped3A = tpu.sem_alloc : memref<!tpu.dma_semaphore, #tpu.memory_space<semaphore_mem>>
        %dma_start3A_613 = arith.constant 0 : i32
        %dma_start3A_614 = tpu.memref_slice %arg12[%add3A_401, %dma_start3A_613] : memref<320000x128xf32, #tpu.memory_space<hbm>> -> memref<80x128xf32, #tpu.memory_space<hbm>>
        %dma_start3A_615 = arith.constant 0 : i32
        %dma_start3A_616 = tpu.memref_slice %arg12[%add3A_401, %dma_start3A_615] : memref<320000x128xf32, #tpu.memory_space<hbm>> -> memref<80x128xf32, #tpu.memory_space<hbm>>
        tpu.enqueue_dma source(%arg17 : memref<80x128xf32, #tpu.memory_space<vmem>>) target(%dma_start3A_616 : memref<80x128xf32, #tpu.memory_space<hbm>>) target_semaphore(%run_scoped3A : memref<!tpu.dma_semaphore, #tpu.memory_space<semaphore_mem>>)
        %dma_wait3A_617 = arith.constant 0 : i32
        %dma_wait3A_618 = tpu.memref_slice %arg12[%add3A_401, %dma_wait3A_617] : memref<320000x128xf32, #tpu.memory_space<hbm>> -> memref<80x128xf32, #tpu.memory_space<hbm>>
        %dma_wait3A_619 = arith.constant 0 : i32
        %dma_wait3A_620 = tpu.memref_slice %arg12[%add3A_401, %dma_wait3A_619] : memref<320000x128xf32, #tpu.memory_space<hbm>> -> memref<80x128xf32, #tpu.memory_space<hbm>>
        tpu.wait_dma2 semaphore(%run_scoped3A : memref<!tpu.dma_semaphore, #tpu.memory_space<semaphore_mem>>) src(%arg17 : memref<80x128xf32, #tpu.memory_space<vmem>>) dst(%dma_wait3A_620 : memref<80x128xf32, #tpu.memory_space<hbm>>)
        tpu.yield
      }) : () -> ()
      %add3A_402 = arith.constant 2 : i32
      %add3A_403 = arith.addi %mul3A_195, %add3A_402 : i32
      %mul3A_404 = arith.constant 80 : i32
      %mul3A_405 = arith.muli %add3A_403, %mul3A_404 : i32
      %dma_start3A_406 = tpu.memref_slice %arg15[%mul3A_405] : memref<10000xi32, #tpu.memory_space<vmem>> -> memref<80xi32, #tpu.memory_space<vmem>>
      %dma_start3A_407 = arith.constant 0 : i32
      %dma_start3A_408 = arith.constant 0 : i32
      %dma_start3A_409 = tpu.memref_slice %arg4[%dma_start3A_407, %dma_start3A_408] : memref<10000x128xf32, #tpu.memory_space<hbm>> -> memref<10000x128xf32, #tpu.memory_space<hbm>>
      tpu.enqueue_indirect_dma source(%dma_start3A_409 : memref<10000x128xf32, #tpu.memory_space<hbm>>) target(%arg17 : memref<80x128xf32, #tpu.memory_space<vmem>>) offsets(%dma_start3A_406 : memref<80xi32, #tpu.memory_space<vmem>>) semaphore(%arg27 : memref<!tpu.dma_semaphore, #tpu.memory_space<semaphore_mem>>)
      %add3A_410 = arith.constant 1 : i32
      %add3A_411 = arith.addi %mul3A_195, %add3A_410 : i32
      %mul3A_412 = arith.constant 80 : i32
      %mul3A_413 = arith.muli %add3A_411, %mul3A_412 : i32
      %add3A_414 = arith.addi %mul3A_2, %mul3A_413 : i32
      %mul3A_415 = arith.constant 80 : i32
      %mul3A_416 = arith.muli %add3A_411, %mul3A_415 : i32
      %add3A_417 = arith.constant 0 : i32
      %add3A_418 = arith.addi %mul3A_416, %add3A_417 : i32
      %get3A_419 = arith.index_cast %add3A_418 : i32 to index
      %get3A_420 = tpu.vector_load %arg15[%get3A_419] {strides = array<i32>} : memref<10000xi32, #tpu.memory_space<vmem>>, vector<16xi32>,
      %add3A_421 = arith.constant 0 : i32
      %add3A_422 = arith.addi %add3A_414, %add3A_421 : i32
      %broadcast_in_dim3A_423 = vector.broadcast %add3A_422 : i32 to vector<16xi32>
      %add3A_424 = arith.addi %broadcast_in_dim3A_423, %iota3A : vector<16xi32>
      %shift_right_logical3A_425 = arith.constant 5 : i32
      %shift_right_logical3A_426 = vector.broadcast %shift_right_logical3A_425 : i32 to vector<16xi32>
      %shift_right_logical3A_427 = arith.shrui %add3A_424, %shift_right_logical3A_426 : vector<16xi32>
      %mul3A_428 = arith.constant 4 : i32
      %mul3A_429 = vector.broadcast %mul3A_428 : i32 to vector<16xi32>
      %mul3A_430 = arith.muli %iota3A, %mul3A_429 : vector<16xi32>
      %add3A_431 = arith.constant 0 : i32
      %add3A_432 = vector.broadcast %add3A_431 : i32 to vector<16xi32>
      %add3A_433 = arith.addi %mul3A_430, %add3A_432 : vector<16xi32>
      %gather3A_434 = tpu.vector_load_idx %arg21[%get3A_420] : memref<10000xf32, #tpu.memory_space<vmem>>[vector<16xi32>], vector<16xf32>,
      %gather3A_435 = tpu.vector_load_idx %arg24[%shift_right_logical3A_427] : memref<10000xf32, #tpu.memory_space<vmem>>[vector<16xi32>], vector<16xf32>,
      %sub3A_436 = arith.subf %gather3A_434, %gather3A_435 : vector<16xf32>
      tpu.vector_store_idx %arg20[%add3A_433], %sub3A_436 : memref<320xf32, #tpu.memory_space<vmem>>[vector<16xi32>], vector<16xf32>,
      %add3A_437 = arith.constant 1 : i32
      %add3A_438 = vector.broadcast %add3A_437 : i32 to vector<16xi32>
      %add3A_439 = arith.addi %add3A_433, %add3A_438 : vector<16xi32>
      %gather3A_440 = tpu.vector_load_idx %arg22[%get3A_420] : memref<10000xf32, #tpu.memory_space<vmem>>[vector<16xi32>], vector<16xf32>,
      %gather3A_441 = tpu.vector_load_idx %arg25[%shift_right_logical3A_427] : memref<10000xf32, #tpu.memory_space<vmem>>[vector<16xi32>], vector<16xf32>,
      %sub3A_442 = arith.subf %gather3A_440, %gather3A_441 : vector<16xf32>
      tpu.vector_store_idx %arg20[%add3A_439], %sub3A_442 : memref<320xf32, #tpu.memory_space<vmem>>[vector<16xi32>], vector<16xf32>,
      %add3A_443 = arith.constant 2 : i32
      %add3A_444 = vector.broadcast %add3A_443 : i32 to vector<16xi32>
      %add3A_445 = arith.addi %add3A_433, %add3A_444 : vector<16xi32>
      %gather3A_446 = tpu.vector_load_idx %arg23[%get3A_420] : memref<10000xf32, #tpu.memory_space<vmem>>[vector<16xi32>], vector<16xf32>,
      %gather3A_447 = tpu.vector_load_idx %arg26[%shift_right_logical3A_427] : memref<10000xf32, #tpu.memory_space<vmem>>[vector<16xi32>], vector<16xf32>,
      %sub3A_448 = arith.subf %gather3A_446, %gather3A_447 : vector<16xf32>
      tpu.vector_store_idx %arg20[%add3A_445], %sub3A_448 : memref<320xf32, #tpu.memory_space<vmem>>[vector<16xi32>], vector<16xf32>,
      %add3A_449 = arith.constant 3 : i32
      %add3A_450 = vector.broadcast %add3A_449 : i32 to vector<16xi32>
      %add3A_451 = arith.addi %add3A_433, %add3A_450 : vector<16xi32>
      tpu.vector_store_idx %arg20[%add3A_451], %broadcast_in_dim3A_3 : memref<320xf32, #tpu.memory_space<vmem>>[vector<16xi32>], vector<16xf32>,
      %mul3A_452 = arith.constant 80 : i32
      %mul3A_453 = arith.muli %add3A_411, %mul3A_452 : i32
      %add3A_454 = arith.constant 16 : i32
      %add3A_455 = arith.addi %mul3A_453, %add3A_454 : i32
      %get3A_456 = arith.index_cast %add3A_455 : i32 to index
      %get3A_457 = tpu.vector_load %arg15[%get3A_456] {strides = array<i32>} : memref<10000xi32, #tpu.memory_space<vmem>>, vector<16xi32>,
      %add3A_458 = arith.constant 16 : i32
      %add3A_459 = arith.addi %add3A_414, %add3A_458 : i32
      %broadcast_in_dim3A_460 = vector.broadcast %add3A_459 : i32 to vector<16xi32>
      %add3A_461 = arith.addi %broadcast_in_dim3A_460, %iota3A : vector<16xi32>
      %shift_right_logical3A_462 = arith.constant 5 : i32
      %shift_right_logical3A_463 = vector.broadcast %shift_right_logical3A_462 : i32 to vector<16xi32>
      %shift_right_logical3A_464 = arith.shrui %add3A_461, %shift_right_logical3A_463 : vector<16xi32>
      %mul3A_465 = arith.constant 4 : i32
      %mul3A_466 = vector.broadcast %mul3A_465 : i32 to vector<16xi32>
      %mul3A_467 = arith.muli %iota3A, %mul3A_466 : vector<16xi32>
      %add3A_468 = arith.constant 64 : i32
      %add3A_469 = vector.broadcast %add3A_468 : i32 to vector<16xi32>
      %add3A_470 = arith.addi %mul3A_467, %add3A_469 : vector<16xi32>
      %gather3A_471 = tpu.vector_load_idx %arg21[%get3A_457] : memref<10000xf32, #tpu.memory_space<vmem>>[vector<16xi32>], vector<16xf32>,
      %gather3A_472 = tpu.vector_load_idx %arg24[%shift_right_logical3A_464] : memref<10000xf32, #tpu.memory_space<vmem>>[vector<16xi32>], vector<16xf32>,
      %sub3A_473 = arith.subf %gather3A_471, %gather3A_472 : vector<16xf32>
      tpu.vector_store_idx %arg20[%add3A_470], %sub3A_473 : memref<320xf32, #tpu.memory_space<vmem>>[vector<16xi32>], vector<16xf32>,
      %add3A_474 = arith.constant 1 : i32
      %add3A_475 = vector.broadcast %add3A_474 : i32 to vector<16xi32>
      %add3A_476 = arith.addi %add3A_470, %add3A_475 : vector<16xi32>
      %gather3A_477 = tpu.vector_load_idx %arg22[%get3A_457] : memref<10000xf32, #tpu.memory_space<vmem>>[vector<16xi32>], vector<16xf32>,
      %gather3A_478 = tpu.vector_load_idx %arg25[%shift_right_logical3A_464] : memref<10000xf32, #tpu.memory_space<vmem>>[vector<16xi32>], vector<16xf32>,
      %sub3A_479 = arith.subf %gather3A_477, %gather3A_478 : vector<16xf32>
      tpu.vector_store_idx %arg20[%add3A_476], %sub3A_479 : memref<320xf32, #tpu.memory_space<vmem>>[vector<16xi32>], vector<16xf32>,
      %add3A_480 = arith.constant 2 : i32
      %add3A_481 = vector.broadcast %add3A_480 : i32 to vector<16xi32>
      %add3A_482 = arith.addi %add3A_470, %add3A_481 : vector<16xi32>
      %gather3A_483 = tpu.vector_load_idx %arg23[%get3A_457] : memref<10000xf32, #tpu.memory_space<vmem>>[vector<16xi32>], vector<16xf32>,
      %gather3A_484 = tpu.vector_load_idx %arg26[%shift_right_logical3A_464] : memref<10000xf32, #tpu.memory_space<vmem>>[vector<16xi32>], vector<16xf32>,
      %sub3A_485 = arith.subf %gather3A_483, %gather3A_484 : vector<16xf32>
      tpu.vector_store_idx %arg20[%add3A_482], %sub3A_485 : memref<320xf32, #tpu.memory_space<vmem>>[vector<16xi32>], vector<16xf32>,
      %add3A_486 = arith.constant 3 : i32
      %add3A_487 = vector.broadcast %add3A_486 : i32 to vector<16xi32>
      %add3A_488 = arith.addi %add3A_470, %add3A_487 : vector<16xi32>
      tpu.vector_store_idx %arg20[%add3A_488], %broadcast_in_dim3A_3 : memref<320xf32, #tpu.memory_space<vmem>>[vector<16xi32>], vector<16xf32>,
      %mul3A_489 = arith.constant 80 : i32
      %mul3A_490 = arith.muli %add3A_411, %mul3A_489 : i32
      %add3A_491 = arith.constant 32 : i32
      %add3A_492 = arith.addi %mul3A_490, %add3A_491 : i32
      %get3A_493 = arith.index_cast %add3A_492 : i32 to index
      %get3A_494 = tpu.vector_load %arg15[%get3A_493] {strides = array<i32>} : memref<10000xi32, #tpu.memory_space<vmem>>, vector<16xi32>,
      %add3A_495 = arith.constant 32 : i32
      %add3A_496 = arith.addi %add3A_414, %add3A_495 : i32
      %broadcast_in_dim3A_497 = vector.broadcast %add3A_496 : i32 to vector<16xi32>
      %add3A_498 = arith.addi %broadcast_in_dim3A_497, %iota3A : vector<16xi32>
      %shift_right_logical3A_499 = arith.constant 5 : i32
      %shift_right_logical3A_500 = vector.broadcast %shift_right_logical3A_499 : i32 to vector<16xi32>
      %shift_right_logical3A_501 = arith.shrui %add3A_498, %shift_right_logical3A_500 : vector<16xi32>
      %mul3A_502 = arith.constant 4 : i32
      %mul3A_503 = vector.broadcast %mul3A_502 : i32 to vector<16xi32>
      %mul3A_504 = arith.muli %iota3A, %mul3A_503 : vector<16xi32>
      %add3A_505 = arith.constant 128 : i32
      %add3A_506 = vector.broadcast %add3A_505 : i32 to vector<16xi32>
      %add3A_507 = arith.addi %mul3A_504, %add3A_506 : vector<16xi32>
      %gather3A_508 = tpu.vector_load_idx %arg21[%get3A_494] : memref<10000xf32, #tpu.memory_space<vmem>>[vector<16xi32>], vector<16xf32>,
      %gather3A_509 = tpu.vector_load_idx %arg24[%shift_right_logical3A_501] : memref<10000xf32, #tpu.memory_space<vmem>>[vector<16xi32>], vector<16xf32>,
      %sub3A_510 = arith.subf %gather3A_508, %gather3A_509 : vector<16xf32>
      tpu.vector_store_idx %arg20[%add3A_507], %sub3A_510 : memref<320xf32, #tpu.memory_space<vmem>>[vector<16xi32>], vector<16xf32>,
      %add3A_511 = arith.constant 1 : i32
      %add3A_512 = vector.broadcast %add3A_511 : i32 to vector<16xi32>
      %add3A_513 = arith.addi %add3A_507, %add3A_512 : vector<16xi32>
      %gather3A_514 = tpu.vector_load_idx %arg22[%get3A_494] : memref<10000xf32, #tpu.memory_space<vmem>>[vector<16xi32>], vector<16xf32>,
      %gather3A_515 = tpu.vector_load_idx %arg25[%shift_right_logical3A_501] : memref<10000xf32, #tpu.memory_space<vmem>>[vector<16xi32>], vector<16xf32>,
      %sub3A_516 = arith.subf %gather3A_514, %gather3A_515 : vector<16xf32>
      tpu.vector_store_idx %arg20[%add3A_513], %sub3A_516 : memref<320xf32, #tpu.memory_space<vmem>>[vector<16xi32>], vector<16xf32>,
      %add3A_517 = arith.constant 2 : i32
      %add3A_518 = vector.broadcast %add3A_517 : i32 to vector<16xi32>
      %add3A_519 = arith.addi %add3A_507, %add3A_518 : vector<16xi32>
      %gather3A_520 = tpu.vector_load_idx %arg23[%get3A_494] : memref<10000xf32, #tpu.memory_space<vmem>>[vector<16xi32>], vector<16xf32>,
      %gather3A_521 = tpu.vector_load_idx %arg26[%shift_right_logical3A_501] : memref<10000xf32, #tpu.memory_space<vmem>>[vector<16xi32>], vector<16xf32>,
      %sub3A_522 = arith.subf %gather3A_520, %gather3A_521 : vector<16xf32>
      tpu.vector_store_idx %arg20[%add3A_519], %sub3A_522 : memref<320xf32, #tpu.memory_space<vmem>>[vector<16xi32>], vector<16xf32>,
      %add3A_523 = arith.constant 3 : i32
      %add3A_524 = vector.broadcast %add3A_523 : i32 to vector<16xi32>
      %add3A_525 = arith.addi %add3A_507, %add3A_524 : vector<16xi32>
      tpu.vector_store_idx %arg20[%add3A_525], %broadcast_in_dim3A_3 : memref<320xf32, #tpu.memory_space<vmem>>[vector<16xi32>], vector<16xf32>,
      %mul3A_526 = arith.constant 80 : i32
      %mul3A_527 = arith.muli %add3A_411, %mul3A_526 : i32
      %add3A_528 = arith.constant 48 : i32
      %add3A_529 = arith.addi %mul3A_527, %add3A_528 : i32
      %get3A_530 = arith.index_cast %add3A_529 : i32 to index
      %get3A_531 = tpu.vector_load %arg15[%get3A_530] {strides = array<i32>} : memref<10000xi32, #tpu.memory_space<vmem>>, vector<16xi32>,
      %add3A_532 = arith.constant 48 : i32
      %add3A_533 = arith.addi %add3A_414, %add3A_532 : i32
      %broadcast_in_dim3A_534 = vector.broadcast %add3A_533 : i32 to vector<16xi32>
      %add3A_535 = arith.addi %broadcast_in_dim3A_534, %iota3A : vector<16xi32>
      %shift_right_logical3A_536 = arith.constant 5 : i32
      %shift_right_logical3A_537 = vector.broadcast %shift_right_logical3A_536 : i32 to vector<16xi32>
      %shift_right_logical3A_538 = arith.shrui %add3A_535, %shift_right_logical3A_537 : vector<16xi32>
      %mul3A_539 = arith.constant 4 : i32
      %mul3A_540 = vector.broadcast %mul3A_539 : i32 to vector<16xi32>
      %mul3A_541 = arith.muli %iota3A, %mul3A_540 : vector<16xi32>
      %add3A_542 = arith.constant 192 : i32
      %add3A_543 = vector.broadcast %add3A_542 : i32 to vector<16xi32>
      %add3A_544 = arith.addi %mul3A_541, %add3A_543 : vector<16xi32>
      %gather3A_545 = tpu.vector_load_idx %arg21[%get3A_531] : memref<10000xf32, #tpu.memory_space<vmem>>[vector<16xi32>], vector<16xf32>,
      %gather3A_546 = tpu.vector_load_idx %arg24[%shift_right_logical3A_538] : memref<10000xf32, #tpu.memory_space<vmem>>[vector<16xi32>], vector<16xf32>,
      %sub3A_547 = arith.subf %gather3A_545, %gather3A_546 : vector<16xf32>
      tpu.vector_store_idx %arg20[%add3A_544], %sub3A_547 : memref<320xf32, #tpu.memory_space<vmem>>[vector<16xi32>], vector<16xf32>,
      %add3A_548 = arith.constant 1 : i32
      %add3A_549 = vector.broadcast %add3A_548 : i32 to vector<16xi32>
      %add3A_550 = arith.addi %add3A_544, %add3A_549 : vector<16xi32>
      %gather3A_551 = tpu.vector_load_idx %arg22[%get3A_531] : memref<10000xf32, #tpu.memory_space<vmem>>[vector<16xi32>], vector<16xf32>,
      %gather3A_552 = tpu.vector_load_idx %arg25[%shift_right_logical3A_538] : memref<10000xf32, #tpu.memory_space<vmem>>[vector<16xi32>], vector<16xf32>,
      %sub3A_553 = arith.subf %gather3A_551, %gather3A_552 : vector<16xf32>
      tpu.vector_store_idx %arg20[%add3A_550], %sub3A_553 : memref<320xf32, #tpu.memory_space<vmem>>[vector<16xi32>], vector<16xf32>,
      %add3A_554 = arith.constant 2 : i32
      %add3A_555 = vector.broadcast %add3A_554 : i32 to vector<16xi32>
      %add3A_556 = arith.addi %add3A_544, %add3A_555 : vector<16xi32>
      %gather3A_557 = tpu.vector_load_idx %arg23[%get3A_531] : memref<10000xf32, #tpu.memory_space<vmem>>[vector<16xi32>], vector<16xf32>,
      %gather3A_558 = tpu.vector_load_idx %arg26[%shift_right_logical3A_538] : memref<10000xf32, #tpu.memory_space<vmem>>[vector<16xi32>], vector<16xf32>,
      %sub3A_559 = arith.subf %gather3A_557, %gather3A_558 : vector<16xf32>
      tpu.vector_store_idx %arg20[%add3A_556], %sub3A_559 : memref<320xf32, #tpu.memory_space<vmem>>[vector<16xi32>], vector<16xf32>,
      %add3A_560 = arith.constant 3 : i32
      %add3A_561 = vector.broadcast %add3A_560 : i32 to vector<16xi32>
      %add3A_562 = arith.addi %add3A_544, %add3A_561 : vector<16xi32>
      tpu.vector_store_idx %arg20[%add3A_562], %broadcast_in_dim3A_3 : memref<320xf32, #tpu.memory_space<vmem>>[vector<16xi32>], vector<16xf32>,
      %mul3A_563 = arith.constant 80 : i32
      %mul3A_564 = arith.muli %add3A_411, %mul3A_563 : i32
      %add3A_565 = arith.constant 64 : i32
      %add3A_566 = arith.addi %mul3A_564, %add3A_565 : i32
      %get3A_567 = arith.index_cast %add3A_566 : i32 to index
      %get3A_568 = tpu.vector_load %arg15[%get3A_567] {strides = array<i32>} : memref<10000xi32, #tpu.memory_space<vmem>>, vector<16xi32>,
      %add3A_569 = arith.constant 64 : i32
      %add3A_570 = arith.addi %add3A_414, %add3A_569 : i32
      %broadcast_in_dim3A_571 = vector.broadcast %add3A_570 : i32 to vector<16xi32>
      %add3A_572 = arith.addi %broadcast_in_dim3A_571, %iota3A : vector<16xi32>
      %shift_right_logical3A_573 = arith.constant 5 : i32
      %shift_right_logical3A_574 = vector.broadcast %shift_right_logical3A_573 : i32 to vector<16xi32>
      %shift_right_logical3A_575 = arith.shrui %add3A_572, %shift_right_logical3A_574 : vector<16xi32>
      %mul3A_576 = arith.constant 4 : i32
      %mul3A_577 = vector.broadcast %mul3A_576 : i32 to vector<16xi32>
      %mul3A_578 = arith.muli %iota3A, %mul3A_577 : vector<16xi32>
      %add3A_579 = arith.constant 256 : i32
      %add3A_580 = vector.broadcast %add3A_579 : i32 to vector<16xi32>
      %add3A_581 = arith.addi %mul3A_578, %add3A_580 : vector<16xi32>
      %gather3A_582 = tpu.vector_load_idx %arg21[%get3A_568] : memref<10000xf32, #tpu.memory_space<vmem>>[vector<16xi32>], vector<16xf32>,
      %gather3A_583 = tpu.vector_load_idx %arg24[%shift_right_logical3A_575] : memref<10000xf32, #tpu.memory_space<vmem>>[vector<16xi32>], vector<16xf32>,
      %sub3A_584 = arith.subf %gather3A_582, %gather3A_583 : vector<16xf32>
      tpu.vector_store_idx %arg20[%add3A_581], %sub3A_584 : memref<320xf32, #tpu.memory_space<vmem>>[vector<16xi32>], vector<16xf32>,
      %add3A_585 = arith.constant 1 : i32
      %add3A_586 = vector.broadcast %add3A_585 : i32 to vector<16xi32>
      %add3A_587 = arith.addi %add3A_581, %add3A_586 : vector<16xi32>
      %gather3A_588 = tpu.vector_load_idx %arg22[%get3A_568] : memref<10000xf32, #tpu.memory_space<vmem>>[vector<16xi32>], vector<16xf32>,
      %gather3A_589 = tpu.vector_load_idx %arg25[%shift_right_logical3A_575] : memref<10000xf32, #tpu.memory_space<vmem>>[vector<16xi32>], vector<16xf32>,
      %sub3A_590 = arith.subf %gather3A_588, %gather3A_589 : vector<16xf32>
      tpu.vector_store_idx %arg20[%add3A_587], %sub3A_590 : memref<320xf32, #tpu.memory_space<vmem>>[vector<16xi32>], vector<16xf32>,
      %add3A_591 = arith.constant 2 : i32
      %add3A_592 = vector.broadcast %add3A_591 : i32 to vector<16xi32>
      %add3A_593 = arith.addi %add3A_581, %add3A_592 : vector<16xi32>
      %gather3A_594 = tpu.vector_load_idx %arg23[%get3A_568] : memref<10000xf32, #tpu.memory_space<vmem>>[vector<16xi32>], vector<16xf32>,
      %gather3A_595 = tpu.vector_load_idx %arg26[%shift_right_logical3A_575] : memref<10000xf32, #tpu.memory_space<vmem>>[vector<16xi32>], vector<16xf32>,
      %sub3A_596 = arith.subf %gather3A_594, %gather3A_595 : vector<16xf32>
      tpu.vector_store_idx %arg20[%add3A_593], %sub3A_596 : memref<320xf32, #tpu.memory_space<vmem>>[vector<16xi32>], vector<16xf32>,
      %add3A_597 = arith.constant 3 : i32
      %add3A_598 = vector.broadcast %add3A_597 : i32 to vector<16xi32>
      %add3A_599 = arith.addi %add3A_581, %add3A_598 : vector<16xi32>
      tpu.vector_store_idx %arg20[%add3A_599], %broadcast_in_dim3A_3 : memref<320xf32, #tpu.memory_space<vmem>>[vector<16xi32>], vector<16xf32>,
      %mul3A_600 = arith.constant 4 : i32
      %mul3A_601 = arith.muli %add3A_414, %mul3A_600 : i32
      "tpu.region"() ({
        %run_scoped3A = tpu.sem_alloc : memref<!tpu.dma_semaphore, #tpu.memory_space<semaphore_mem>>
        %dma_start3A_613 = tpu.memref_slice %arg13[%mul3A_601] : memref<1280000xf32, #tpu.memory_space<hbm>> -> memref<320xf32, #tpu.memory_space<hbm>>
        %dma_start3A_614 = tpu.memref_slice %arg13[%mul3A_601] : memref<1280000xf32, #tpu.memory_space<hbm>> -> memref<320xf32, #tpu.memory_space<hbm>>
        tpu.enqueue_dma source(%arg20 : memref<320xf32, #tpu.memory_space<vmem>>) target(%dma_start3A_614 : memref<320xf32, #tpu.memory_space<hbm>>) target_semaphore(%run_scoped3A : memref<!tpu.dma_semaphore, #tpu.memory_space<semaphore_mem>>)
        %dma_wait3A_615 = tpu.memref_slice %arg13[%mul3A_601] : memref<1280000xf32, #tpu.memory_space<hbm>> -> memref<320xf32, #tpu.memory_space<hbm>>
        %dma_wait3A_616 = tpu.memref_slice %arg13[%mul3A_601] : memref<1280000xf32, #tpu.memory_space<hbm>> -> memref<320xf32, #tpu.memory_space<hbm>>
        tpu.wait_dma2 semaphore(%run_scoped3A : memref<!tpu.dma_semaphore, #tpu.memory_space<semaphore_mem>>) src(%arg20 : memref<320xf32, #tpu.memory_space<vmem>>) dst(%dma_wait3A_616 : memref<320xf32, #tpu.memory_space<hbm>>)
        tpu.yield
      }) : () -> ()
      %add3A_602 = arith.constant 1 : i32
      %add3A_603 = arith.addi %mul3A_195, %add3A_602 : i32
      %dma_wait3A_604 = arith.constant 0 : i32
      %dma_wait3A_605 = tpu.memref_slice %arg15[%dma_wait3A_604] : memref<10000xi32, #tpu.memory_space<vmem>> -> memref<80xi32, #tpu.memory_space<vmem>>
      %dma_wait3A_606 = arith.constant 0 : i32
      %dma_wait3A_607 = arith.constant 0 : i32
      %dma_wait3A_608 = tpu.memref_slice %arg4[%dma_wait3A_606, %dma_wait3A_607] : memref<10000x128xf32, #tpu.memory_space<hbm>> -> memref<10000x128xf32, #tpu.memory_space<hbm>>
      tpu.wait_indirect_dma semaphore(%arg28 : memref<!tpu.dma_semaphore, #tpu.memory_space<semaphore_mem>>) src(%dma_wait3A_608 : memref<10000x128xf32, #tpu.memory_space<hbm>>) dst(%arg18 : memref<80x128xf32, #tpu.memory_space<vmem>>)
      %mul3A_609 = arith.constant 80 : i32
      %mul3A_610 = arith.muli %add3A_603, %mul3A_609 : i32
      %add3A_611 = arith.addi %mul3A_2, %mul3A_610 : i32
      "tpu.region"() ({
        %run_scoped3A = tpu.sem_alloc : memref<!tpu.dma_semaphore, #tpu.memory_space<semaphore_mem>>
        %dma_start3A_613 = arith.constant 0 : i32
        %dma_start3A_614 = tpu.memref_slice %arg12[%add3A_611, %dma_start3A_613] : memref<320000x128xf32, #tpu.memory_space<hbm>> -> memref<80x128xf32, #tpu.memory_space<hbm>>
        %dma_start3A_615 = arith.constant 0 : i32
        %dma_start3A_616 = tpu.memref_slice %arg12[%add3A_611, %dma_start3A_615] : memref<320000x128xf32, #tpu.memory_space<hbm>> -> memref<80x128xf32, #tpu.memory_space<hbm>>
        tpu.enqueue_dma source(%arg18 : memref<80x128xf32, #tpu.memory_space<vmem>>) target(%dma_start3A_616 : memref<80x128xf32, #tpu.memory_space<hbm>>) target_semaphore(%run_scoped3A : memref<!tpu.dma_semaphore, #tpu.memory_space<semaphore_mem>>)
        %dma_wait3A_617 = arith.constant 0 : i32
        %dma_wait3A_618 = tpu.memref_slice %arg12[%add3A_611, %dma_wait3A_617] : memref<320000x128xf32, #tpu.memory_space<hbm>> -> memref<80x128xf32, #tpu.memory_space<hbm>>
        %dma_wait3A_619 = arith.constant 0 : i32
        %dma_wait3A_620 = tpu.memref_slice %arg12[%add3A_611, %dma_wait3A_619] : memref<320000x128xf32, #tpu.memory_space<hbm>> -> memref<80x128xf32, #tpu.memory_space<hbm>>
        tpu.wait_dma2 semaphore(%run_scoped3A : memref<!tpu.dma_semaphore, #tpu.memory_space<semaphore_mem>>) src(%arg18 : memref<80x128xf32, #tpu.memory_space<vmem>>) dst(%dma_wait3A_620 : memref<80x128xf32, #tpu.memory_space<hbm>>)
        tpu.yield
      }) : () -> ()
      %scan3A_612 = arith.constant 0 : i32
      scf.yield %scan3A_612 : i32
    }
    %scan3A_13 = arith.constant 62 : i32
    %add3A_14 = arith.constant 9920 : i32
    %add3A_15 = arith.addi %mul3A_2, %add3A_14 : i32
    %get3A = arith.constant 9920 : index
    %get3A_16 = tpu.vector_load %arg15[%get3A] {strides = array<i32>} : memref<10000xi32, #tpu.memory_space<vmem>>, vector<16xi32>,
    %add3A_17 = arith.constant 0 : i32
    %add3A_18 = arith.addi %add3A_15, %add3A_17 : i32
    %broadcast_in_dim3A_19 = vector.broadcast %add3A_18 : i32 to vector<16xi32>
    %add3A_20 = arith.addi %broadcast_in_dim3A_19, %iota3A : vector<16xi32>
    %shift_right_logical3A = arith.constant 5 : i32
    %shift_right_logical3A_21 = vector.broadcast %shift_right_logical3A : i32 to vector<16xi32>
    %shift_right_logical3A_22 = arith.shrui %add3A_20, %shift_right_logical3A_21 : vector<16xi32>
    %mul3A_23 = arith.constant 4 : i32
    %mul3A_24 = vector.broadcast %mul3A_23 : i32 to vector<16xi32>
    %mul3A_25 = arith.muli %iota3A, %mul3A_24 : vector<16xi32>
    %add3A_26 = arith.constant 0 : i32
    %add3A_27 = vector.broadcast %add3A_26 : i32 to vector<16xi32>
    %add3A_28 = arith.addi %mul3A_25, %add3A_27 : vector<16xi32>
    %gather3A = tpu.vector_load_idx %arg21[%get3A_16] : memref<10000xf32, #tpu.memory_space<vmem>>[vector<16xi32>], vector<16xf32>,
    %gather3A_29 = tpu.vector_load_idx %arg24[%shift_right_logical3A_22] : memref<10000xf32, #tpu.memory_space<vmem>>[vector<16xi32>], vector<16xf32>,
    %sub3A = arith.subf %gather3A, %gather3A_29 : vector<16xf32>
    tpu.vector_store_idx %arg19[%add3A_28], %sub3A : memref<320xf32, #tpu.memory_space<vmem>>[vector<16xi32>], vector<16xf32>,
    %add3A_30 = arith.constant 1 : i32
    %add3A_31 = vector.broadcast %add3A_30 : i32 to vector<16xi32>
    %add3A_32 = arith.addi %add3A_28, %add3A_31 : vector<16xi32>
    %gather3A_33 = tpu.vector_load_idx %arg22[%get3A_16] : memref<10000xf32, #tpu.memory_space<vmem>>[vector<16xi32>], vector<16xf32>,
    %gather3A_34 = tpu.vector_load_idx %arg25[%shift_right_logical3A_22] : memref<10000xf32, #tpu.memory_space<vmem>>[vector<16xi32>], vector<16xf32>,
    %sub3A_35 = arith.subf %gather3A_33, %gather3A_34 : vector<16xf32>
    tpu.vector_store_idx %arg19[%add3A_32], %sub3A_35 : memref<320xf32, #tpu.memory_space<vmem>>[vector<16xi32>], vector<16xf32>,
    %add3A_36 = arith.constant 2 : i32
    %add3A_37 = vector.broadcast %add3A_36 : i32 to vector<16xi32>
    %add3A_38 = arith.addi %add3A_28, %add3A_37 : vector<16xi32>
    %gather3A_39 = tpu.vector_load_idx %arg23[%get3A_16] : memref<10000xf32, #tpu.memory_space<vmem>>[vector<16xi32>], vector<16xf32>,
    %gather3A_40 = tpu.vector_load_idx %arg26[%shift_right_logical3A_22] : memref<10000xf32, #tpu.memory_space<vmem>>[vector<16xi32>], vector<16xf32>,
    %sub3A_41 = arith.subf %gather3A_39, %gather3A_40 : vector<16xf32>
    tpu.vector_store_idx %arg19[%add3A_38], %sub3A_41 : memref<320xf32, #tpu.memory_space<vmem>>[vector<16xi32>], vector<16xf32>,
    %add3A_42 = arith.constant 3 : i32
    %add3A_43 = vector.broadcast %add3A_42 : i32 to vector<16xi32>
    %add3A_44 = arith.addi %add3A_28, %add3A_43 : vector<16xi32>
    tpu.vector_store_idx %arg19[%add3A_44], %broadcast_in_dim3A_3 : memref<320xf32, #tpu.memory_space<vmem>>[vector<16xi32>], vector<16xf32>,
    %get3A_45 = arith.constant 9936 : index
    %get3A_46 = tpu.vector_load %arg15[%get3A_45] {strides = array<i32>} : memref<10000xi32, #tpu.memory_space<vmem>>, vector<16xi32>,
    %add3A_47 = arith.constant 16 : i32
    %add3A_48 = arith.addi %add3A_15, %add3A_47 : i32
    %broadcast_in_dim3A_49 = vector.broadcast %add3A_48 : i32 to vector<16xi32>
    %add3A_50 = arith.addi %broadcast_in_dim3A_49, %iota3A : vector<16xi32>
    %shift_right_logical3A_51 = arith.constant 5 : i32
    %shift_right_logical3A_52 = vector.broadcast %shift_right_logical3A_51 : i32 to vector<16xi32>
    %shift_right_logical3A_53 = arith.shrui %add3A_50, %shift_right_logical3A_52 : vector<16xi32>
    %mul3A_54 = arith.constant 4 : i32
    %mul3A_55 = vector.broadcast %mul3A_54 : i32 to vector<16xi32>
    %mul3A_56 = arith.muli %iota3A, %mul3A_55 : vector<16xi32>
    %add3A_57 = arith.constant 64 : i32
    %add3A_58 = vector.broadcast %add3A_57 : i32 to vector<16xi32>
    %add3A_59 = arith.addi %mul3A_56, %add3A_58 : vector<16xi32>
    %gather3A_60 = tpu.vector_load_idx %arg21[%get3A_46] : memref<10000xf32, #tpu.memory_space<vmem>>[vector<16xi32>], vector<16xf32>,
    %gather3A_61 = tpu.vector_load_idx %arg24[%shift_right_logical3A_53] : memref<10000xf32, #tpu.memory_space<vmem>>[vector<16xi32>], vector<16xf32>,
    %sub3A_62 = arith.subf %gather3A_60, %gather3A_61 : vector<16xf32>
    tpu.vector_store_idx %arg19[%add3A_59], %sub3A_62 : memref<320xf32, #tpu.memory_space<vmem>>[vector<16xi32>], vector<16xf32>,
    %add3A_63 = arith.constant 1 : i32
    %add3A_64 = vector.broadcast %add3A_63 : i32 to vector<16xi32>
    %add3A_65 = arith.addi %add3A_59, %add3A_64 : vector<16xi32>
    %gather3A_66 = tpu.vector_load_idx %arg22[%get3A_46] : memref<10000xf32, #tpu.memory_space<vmem>>[vector<16xi32>], vector<16xf32>,
    %gather3A_67 = tpu.vector_load_idx %arg25[%shift_right_logical3A_53] : memref<10000xf32, #tpu.memory_space<vmem>>[vector<16xi32>], vector<16xf32>,
    %sub3A_68 = arith.subf %gather3A_66, %gather3A_67 : vector<16xf32>
    tpu.vector_store_idx %arg19[%add3A_65], %sub3A_68 : memref<320xf32, #tpu.memory_space<vmem>>[vector<16xi32>], vector<16xf32>,
    %add3A_69 = arith.constant 2 : i32
    %add3A_70 = vector.broadcast %add3A_69 : i32 to vector<16xi32>
    %add3A_71 = arith.addi %add3A_59, %add3A_70 : vector<16xi32>
    %gather3A_72 = tpu.vector_load_idx %arg23[%get3A_46] : memref<10000xf32, #tpu.memory_space<vmem>>[vector<16xi32>], vector<16xf32>,
    %gather3A_73 = tpu.vector_load_idx %arg26[%shift_right_logical3A_53] : memref<10000xf32, #tpu.memory_space<vmem>>[vector<16xi32>], vector<16xf32>,
    %sub3A_74 = arith.subf %gather3A_72, %gather3A_73 : vector<16xf32>
    tpu.vector_store_idx %arg19[%add3A_71], %sub3A_74 : memref<320xf32, #tpu.memory_space<vmem>>[vector<16xi32>], vector<16xf32>,
    %add3A_75 = arith.constant 3 : i32
    %add3A_76 = vector.broadcast %add3A_75 : i32 to vector<16xi32>
    %add3A_77 = arith.addi %add3A_59, %add3A_76 : vector<16xi32>
    tpu.vector_store_idx %arg19[%add3A_77], %broadcast_in_dim3A_3 : memref<320xf32, #tpu.memory_space<vmem>>[vector<16xi32>], vector<16xf32>,
    %get3A_78 = arith.constant 9952 : index
    %get3A_79 = tpu.vector_load %arg15[%get3A_78] {strides = array<i32>} : memref<10000xi32, #tpu.memory_space<vmem>>, vector<16xi32>,
    %add3A_80 = arith.constant 32 : i32
    %add3A_81 = arith.addi %add3A_15, %add3A_80 : i32
    %broadcast_in_dim3A_82 = vector.broadcast %add3A_81 : i32 to vector<16xi32>
    %add3A_83 = arith.addi %broadcast_in_dim3A_82, %iota3A : vector<16xi32>
    %shift_right_logical3A_84 = arith.constant 5 : i32
    %shift_right_logical3A_85 = vector.broadcast %shift_right_logical3A_84 : i32 to vector<16xi32>
    %shift_right_logical3A_86 = arith.shrui %add3A_83, %shift_right_logical3A_85 : vector<16xi32>
    %mul3A_87 = arith.constant 4 : i32
    %mul3A_88 = vector.broadcast %mul3A_87 : i32 to vector<16xi32>
    %mul3A_89 = arith.muli %iota3A, %mul3A_88 : vector<16xi32>
    %add3A_90 = arith.constant 128 : i32
    %add3A_91 = vector.broadcast %add3A_90 : i32 to vector<16xi32>
    %add3A_92 = arith.addi %mul3A_89, %add3A_91 : vector<16xi32>
    %gather3A_93 = tpu.vector_load_idx %arg21[%get3A_79] : memref<10000xf32, #tpu.memory_space<vmem>>[vector<16xi32>], vector<16xf32>,
    %gather3A_94 = tpu.vector_load_idx %arg24[%shift_right_logical3A_86] : memref<10000xf32, #tpu.memory_space<vmem>>[vector<16xi32>], vector<16xf32>,
    %sub3A_95 = arith.subf %gather3A_93, %gather3A_94 : vector<16xf32>
    tpu.vector_store_idx %arg19[%add3A_92], %sub3A_95 : memref<320xf32, #tpu.memory_space<vmem>>[vector<16xi32>], vector<16xf32>,
    %add3A_96 = arith.constant 1 : i32
    %add3A_97 = vector.broadcast %add3A_96 : i32 to vector<16xi32>
    %add3A_98 = arith.addi %add3A_92, %add3A_97 : vector<16xi32>
    %gather3A_99 = tpu.vector_load_idx %arg22[%get3A_79] : memref<10000xf32, #tpu.memory_space<vmem>>[vector<16xi32>], vector<16xf32>,
    %gather3A_100 = tpu.vector_load_idx %arg25[%shift_right_logical3A_86] : memref<10000xf32, #tpu.memory_space<vmem>>[vector<16xi32>], vector<16xf32>,
    %sub3A_101 = arith.subf %gather3A_99, %gather3A_100 : vector<16xf32>
    tpu.vector_store_idx %arg19[%add3A_98], %sub3A_101 : memref<320xf32, #tpu.memory_space<vmem>>[vector<16xi32>], vector<16xf32>,
    %add3A_102 = arith.constant 2 : i32
    %add3A_103 = vector.broadcast %add3A_102 : i32 to vector<16xi32>
    %add3A_104 = arith.addi %add3A_92, %add3A_103 : vector<16xi32>
    %gather3A_105 = tpu.vector_load_idx %arg23[%get3A_79] : memref<10000xf32, #tpu.memory_space<vmem>>[vector<16xi32>], vector<16xf32>,
    %gather3A_106 = tpu.vector_load_idx %arg26[%shift_right_logical3A_86] : memref<10000xf32, #tpu.memory_space<vmem>>[vector<16xi32>], vector<16xf32>,
    %sub3A_107 = arith.subf %gather3A_105, %gather3A_106 : vector<16xf32>
    tpu.vector_store_idx %arg19[%add3A_104], %sub3A_107 : memref<320xf32, #tpu.memory_space<vmem>>[vector<16xi32>], vector<16xf32>,
    %add3A_108 = arith.constant 3 : i32
    %add3A_109 = vector.broadcast %add3A_108 : i32 to vector<16xi32>
    %add3A_110 = arith.addi %add3A_92, %add3A_109 : vector<16xi32>
    tpu.vector_store_idx %arg19[%add3A_110], %broadcast_in_dim3A_3 : memref<320xf32, #tpu.memory_space<vmem>>[vector<16xi32>], vector<16xf32>,
    %get3A_111 = arith.constant 9968 : index
    %get3A_112 = tpu.vector_load %arg15[%get3A_111] {strides = array<i32>} : memref<10000xi32, #tpu.memory_space<vmem>>, vector<16xi32>,
    %add3A_113 = arith.constant 48 : i32
    %add3A_114 = arith.addi %add3A_15, %add3A_113 : i32
    %broadcast_in_dim3A_115 = vector.broadcast %add3A_114 : i32 to vector<16xi32>
    %add3A_116 = arith.addi %broadcast_in_dim3A_115, %iota3A : vector<16xi32>
    %shift_right_logical3A_117 = arith.constant 5 : i32
    %shift_right_logical3A_118 = vector.broadcast %shift_right_logical3A_117 : i32 to vector<16xi32>
    %shift_right_logical3A_119 = arith.shrui %add3A_116, %shift_right_logical3A_118 : vector<16xi32>
    %mul3A_120 = arith.constant 4 : i32
    %mul3A_121 = vector.broadcast %mul3A_120 : i32 to vector<16xi32>
    %mul3A_122 = arith.muli %iota3A, %mul3A_121 : vector<16xi32>
    %add3A_123 = arith.constant 192 : i32
    %add3A_124 = vector.broadcast %add3A_123 : i32 to vector<16xi32>
    %add3A_125 = arith.addi %mul3A_122, %add3A_124 : vector<16xi32>
    %gather3A_126 = tpu.vector_load_idx %arg21[%get3A_112] : memref<10000xf32, #tpu.memory_space<vmem>>[vector<16xi32>], vector<16xf32>,
    %gather3A_127 = tpu.vector_load_idx %arg24[%shift_right_logical3A_119] : memref<10000xf32, #tpu.memory_space<vmem>>[vector<16xi32>], vector<16xf32>,
    %sub3A_128 = arith.subf %gather3A_126, %gather3A_127 : vector<16xf32>
    tpu.vector_store_idx %arg19[%add3A_125], %sub3A_128 : memref<320xf32, #tpu.memory_space<vmem>>[vector<16xi32>], vector<16xf32>,
    %add3A_129 = arith.constant 1 : i32
    %add3A_130 = vector.broadcast %add3A_129 : i32 to vector<16xi32>
    %add3A_131 = arith.addi %add3A_125, %add3A_130 : vector<16xi32>
    %gather3A_132 = tpu.vector_load_idx %arg22[%get3A_112] : memref<10000xf32, #tpu.memory_space<vmem>>[vector<16xi32>], vector<16xf32>,
    %gather3A_133 = tpu.vector_load_idx %arg25[%shift_right_logical3A_119] : memref<10000xf32, #tpu.memory_space<vmem>>[vector<16xi32>], vector<16xf32>,
    %sub3A_134 = arith.subf %gather3A_132, %gather3A_133 : vector<16xf32>
    tpu.vector_store_idx %arg19[%add3A_131], %sub3A_134 : memref<320xf32, #tpu.memory_space<vmem>>[vector<16xi32>], vector<16xf32>,
    %add3A_135 = arith.constant 2 : i32
    %add3A_136 = vector.broadcast %add3A_135 : i32 to vector<16xi32>
    %add3A_137 = arith.addi %add3A_125, %add3A_136 : vector<16xi32>
    %gather3A_138 = tpu.vector_load_idx %arg23[%get3A_112] : memref<10000xf32, #tpu.memory_space<vmem>>[vector<16xi32>], vector<16xf32>,
    %gather3A_139 = tpu.vector_load_idx %arg26[%shift_right_logical3A_119] : memref<10000xf32, #tpu.memory_space<vmem>>[vector<16xi32>], vector<16xf32>,
    %sub3A_140 = arith.subf %gather3A_138, %gather3A_139 : vector<16xf32>
    tpu.vector_store_idx %arg19[%add3A_137], %sub3A_140 : memref<320xf32, #tpu.memory_space<vmem>>[vector<16xi32>], vector<16xf32>,
    %add3A_141 = arith.constant 3 : i32
    %add3A_142 = vector.broadcast %add3A_141 : i32 to vector<16xi32>
    %add3A_143 = arith.addi %add3A_125, %add3A_142 : vector<16xi32>
    tpu.vector_store_idx %arg19[%add3A_143], %broadcast_in_dim3A_3 : memref<320xf32, #tpu.memory_space<vmem>>[vector<16xi32>], vector<16xf32>,
    %get3A_144 = arith.constant 9984 : index
    %get3A_145 = tpu.vector_load %arg15[%get3A_144] {strides = array<i32>} : memref<10000xi32, #tpu.memory_space<vmem>>, vector<16xi32>,
    %add3A_146 = arith.constant 64 : i32
    %add3A_147 = arith.addi %add3A_15, %add3A_146 : i32
    %broadcast_in_dim3A_148 = vector.broadcast %add3A_147 : i32 to vector<16xi32>
    %add3A_149 = arith.addi %broadcast_in_dim3A_148, %iota3A : vector<16xi32>
    %shift_right_logical3A_150 = arith.constant 5 : i32
    %shift_right_logical3A_151 = vector.broadcast %shift_right_logical3A_150 : i32 to vector<16xi32>
    %shift_right_logical3A_152 = arith.shrui %add3A_149, %shift_right_logical3A_151 : vector<16xi32>
    %mul3A_153 = arith.constant 4 : i32
    %mul3A_154 = vector.broadcast %mul3A_153 : i32 to vector<16xi32>
    %mul3A_155 = arith.muli %iota3A, %mul3A_154 : vector<16xi32>
    %add3A_156 = arith.constant 256 : i32
    %add3A_157 = vector.broadcast %add3A_156 : i32 to vector<16xi32>
    %add3A_158 = arith.addi %mul3A_155, %add3A_157 : vector<16xi32>
    %gather3A_159 = tpu.vector_load_idx %arg21[%get3A_145] : memref<10000xf32, #tpu.memory_space<vmem>>[vector<16xi32>], vector<16xf32>,
    %gather3A_160 = tpu.vector_load_idx %arg24[%shift_right_logical3A_152] : memref<10000xf32, #tpu.memory_space<vmem>>[vector<16xi32>], vector<16xf32>,
    %sub3A_161 = arith.subf %gather3A_159, %gather3A_160 : vector<16xf32>
    tpu.vector_store_idx %arg19[%add3A_158], %sub3A_161 : memref<320xf32, #tpu.memory_space<vmem>>[vector<16xi32>], vector<16xf32>,
    %add3A_162 = arith.constant 1 : i32
    %add3A_163 = vector.broadcast %add3A_162 : i32 to vector<16xi32>
    %add3A_164 = arith.addi %add3A_158, %add3A_163 : vector<16xi32>
    %gather3A_165 = tpu.vector_load_idx %arg22[%get3A_145] : memref<10000xf32, #tpu.memory_space<vmem>>[vector<16xi32>], vector<16xf32>,
    %gather3A_166 = tpu.vector_load_idx %arg25[%shift_right_logical3A_152] : memref<10000xf32, #tpu.memory_space<vmem>>[vector<16xi32>], vector<16xf32>,
    %sub3A_167 = arith.subf %gather3A_165, %gather3A_166 : vector<16xf32>
    tpu.vector_store_idx %arg19[%add3A_164], %sub3A_167 : memref<320xf32, #tpu.memory_space<vmem>>[vector<16xi32>], vector<16xf32>,
    %add3A_168 = arith.constant 2 : i32
    %add3A_169 = vector.broadcast %add3A_168 : i32 to vector<16xi32>
    %add3A_170 = arith.addi %add3A_158, %add3A_169 : vector<16xi32>
    %gather3A_171 = tpu.vector_load_idx %arg23[%get3A_145] : memref<10000xf32, #tpu.memory_space<vmem>>[vector<16xi32>], vector<16xf32>,
    %gather3A_172 = tpu.vector_load_idx %arg26[%shift_right_logical3A_152] : memref<10000xf32, #tpu.memory_space<vmem>>[vector<16xi32>], vector<16xf32>,
    %sub3A_173 = arith.subf %gather3A_171, %gather3A_172 : vector<16xf32>
    tpu.vector_store_idx %arg19[%add3A_170], %sub3A_173 : memref<320xf32, #tpu.memory_space<vmem>>[vector<16xi32>], vector<16xf32>,
    %add3A_174 = arith.constant 3 : i32
    %add3A_175 = vector.broadcast %add3A_174 : i32 to vector<16xi32>
    %add3A_176 = arith.addi %add3A_158, %add3A_175 : vector<16xi32>
    tpu.vector_store_idx %arg19[%add3A_176], %broadcast_in_dim3A_3 : memref<320xf32, #tpu.memory_space<vmem>>[vector<16xi32>], vector<16xf32>,
    %mul3A_177 = arith.constant 4 : i32
    %mul3A_178 = arith.muli %add3A_15, %mul3A_177 : i32
    "tpu.region"() ({
      %run_scoped3A = tpu.sem_alloc : memref<!tpu.dma_semaphore, #tpu.memory_space<semaphore_mem>>
      %dma_start3A_192 = tpu.memref_slice %arg13[%mul3A_178] : memref<1280000xf32, #tpu.memory_space<hbm>> -> memref<320xf32, #tpu.memory_space<hbm>>
      %dma_start3A_193 = tpu.memref_slice %arg13[%mul3A_178] : memref<1280000xf32, #tpu.memory_space<hbm>> -> memref<320xf32, #tpu.memory_space<hbm>>
      tpu.enqueue_dma source(%arg19 : memref<320xf32, #tpu.memory_space<vmem>>) target(%dma_start3A_193 : memref<320xf32, #tpu.memory_space<hbm>>) target_semaphore(%run_scoped3A : memref<!tpu.dma_semaphore, #tpu.memory_space<semaphore_mem>>)
      %dma_wait3A_194 = tpu.memref_slice %arg13[%mul3A_178] : memref<1280000xf32, #tpu.memory_space<hbm>> -> memref<320xf32, #tpu.memory_space<hbm>>
      %dma_wait3A_195 = tpu.memref_slice %arg13[%mul3A_178] : memref<1280000xf32, #tpu.memory_space<hbm>> -> memref<320xf32, #tpu.memory_space<hbm>>
      tpu.wait_dma2 semaphore(%run_scoped3A : memref<!tpu.dma_semaphore, #tpu.memory_space<semaphore_mem>>) src(%arg19 : memref<320xf32, #tpu.memory_space<vmem>>) dst(%dma_wait3A_195 : memref<320xf32, #tpu.memory_space<hbm>>)
      tpu.yield
    }) : () -> ()
    %dma_wait3A = arith.constant 0 : i32
    %dma_wait3A_179 = tpu.memref_slice %arg15[%dma_wait3A] : memref<10000xi32, #tpu.memory_space<vmem>> -> memref<80xi32, #tpu.memory_space<vmem>>
    %dma_wait3A_180 = arith.constant 0 : i32
    %dma_wait3A_181 = arith.constant 0 : i32
    %dma_wait3A_182 = tpu.memref_slice %arg4[%dma_wait3A_180, %dma_wait3A_181] : memref<10000x128xf32, #tpu.memory_space<hbm>> -> memref<10000x128xf32, #tpu.memory_space<hbm>>
    tpu.wait_indirect_dma semaphore(%arg27 : memref<!tpu.dma_semaphore, #tpu.memory_space<semaphore_mem>>) src(%dma_wait3A_182 : memref<10000x128xf32, #tpu.memory_space<hbm>>) dst(%arg17 : memref<80x128xf32, #tpu.memory_space<vmem>>)
    %add3A_183 = arith.constant 9920 : i32
    %add3A_184 = arith.addi %mul3A_2, %add3A_183 : i32
    "tpu.region"() ({
      %run_scoped3A = tpu.sem_alloc : memref<!tpu.dma_semaphore, #tpu.memory_space<semaphore_mem>>
      %dma_start3A_192 = arith.constant 0 : i32
      %dma_start3A_193 = tpu.memref_slice %arg12[%add3A_184, %dma_start3A_192] : memref<320000x128xf32, #tpu.memory_space<hbm>> -> memref<80x128xf32, #tpu.memory_space<hbm>>
      %dma_start3A_194 = arith.constant 0 : i32
      %dma_start3A_195 = tpu.memref_slice %arg12[%add3A_184, %dma_start3A_194] : memref<320000x128xf32, #tpu.memory_space<hbm>> -> memref<80x128xf32, #tpu.memory_space<hbm>>
      tpu.enqueue_dma source(%arg17 : memref<80x128xf32, #tpu.memory_space<vmem>>) target(%dma_start3A_195 : memref<80x128xf32, #tpu.memory_space<hbm>>) target_semaphore(%run_scoped3A : memref<!tpu.dma_semaphore, #tpu.memory_space<semaphore_mem>>)
      %dma_wait3A_196 = arith.constant 0 : i32
      %dma_wait3A_197 = tpu.memref_slice %arg12[%add3A_184, %dma_wait3A_196] : memref<320000x128xf32, #tpu.memory_space<hbm>> -> memref<80x128xf32, #tpu.memory_space<hbm>>
      %dma_wait3A_198 = arith.constant 0 : i32
      %dma_wait3A_199 = tpu.memref_slice %arg12[%add3A_184, %dma_wait3A_198] : memref<320000x128xf32, #tpu.memory_space<hbm>> -> memref<80x128xf32, #tpu.memory_space<hbm>>
      tpu.wait_dma2 semaphore(%run_scoped3A : memref<!tpu.dma_semaphore, #tpu.memory_space<semaphore_mem>>) src(%arg17 : memref<80x128xf32, #tpu.memory_space<vmem>>) dst(%dma_wait3A_199 : memref<80x128xf32, #tpu.memory_space<hbm>>)
      tpu.yield
    }) : () -> ()
    %scan3A_185 = arith.constant 0 : i32
    %scan3A_186 = arith.constant 0 : i32
    %scan3A_187 = arith.constant 4 : i32
    %scan3A_188 = arith.addi %scan3A_186, %scan3A_187 : i32
    %scan3A_189 = arith.constant 1 : i32
    %scan3A_190 = scf.for %scan3A_192 = %scan3A_186 to %scan3A_188 step %scan3A_189 iter_args(%scan3A_193 = %scan3A_185) -> (i32)  : i32 {
      %mul3A_194 = arith.constant 32 : i32
      %mul3A_195 = arith.muli %mul3A_194, %scan3A_192 : i32
      %add3A_196 = arith.addi %add3A, %mul3A_195 : i32
      %lt3A = arith.constant 125 : i32
      %lt3A_197 = arith.cmpi slt, %add3A_196, %lt3A : i32
      %convert_element_type3A = arith.extui %lt3A_197 : i1 to i32
      %cond3A = arith.constant 0 : i32
      %cond3A_198 = arith.cmpi ne, %convert_element_type3A, %cond3A : i32
      scf.if %cond3A_198 {
        %mul3A_200 = arith.constant 80 : i32
        %mul3A_201 = arith.muli %add3A_196, %mul3A_200 : i32
        "tpu.region"() ({
          %run_scoped3A = tpu.sem_alloc : memref<!tpu.dma_semaphore, #tpu.memory_space<semaphore_mem>>
          %dma_start3A_208 = tpu.memref_slice %arg3[%mul3A_201] : memref<10000xi32, #tpu.memory_space<hbm>> -> memref<80xi32, #tpu.memory_space<hbm>>
          %dma_start3A_209 = tpu.memref_slice %arg3[%mul3A_201] : memref<10000xi32, #tpu.memory_space<hbm>> -> memref<80xi32, #tpu.memory_space<hbm>>
          tpu.enqueue_dma source(%dma_start3A_209 : memref<80xi32, #tpu.memory_space<hbm>>) target(%arg16 : memref<80xi32, #tpu.memory_space<vmem>>) target_semaphore(%run_scoped3A : memref<!tpu.dma_semaphore, #tpu.memory_space<semaphore_mem>>)
          %dma_wait3A_210 = tpu.memref_slice %arg3[%mul3A_201] : memref<10000xi32, #tpu.memory_space<hbm>> -> memref<80xi32, #tpu.memory_space<hbm>>
          %dma_wait3A_211 = tpu.memref_slice %arg3[%mul3A_201] : memref<10000xi32, #tpu.memory_space<hbm>> -> memref<80xi32, #tpu.memory_space<hbm>>
          tpu.wait_dma2 semaphore(%run_scoped3A : memref<!tpu.dma_semaphore, #tpu.memory_space<semaphore_mem>>) src(%dma_wait3A_211 : memref<80xi32, #tpu.memory_space<hbm>>) dst(%arg16 : memref<80xi32, #tpu.memory_space<vmem>>)
          tpu.yield
        }) : () -> ()
        %dma_start3A_202 = arith.constant 0 : i32
        %dma_start3A_203 = arith.constant 0 : i32
        %dma_start3A_204 = tpu.memref_slice %arg5[%dma_start3A_202, %dma_start3A_203] : memref<10000x128xf32, #tpu.memory_space<hbm>> -> memref<10000x128xf32, #tpu.memory_space<hbm>>
        tpu.enqueue_indirect_dma source(%dma_start3A_204 : memref<10000x128xf32, #tpu.memory_space<hbm>>) target(%arg17 : memref<80x128xf32, #tpu.memory_space<vmem>>) offsets(%arg16 : memref<80xi32, #tpu.memory_space<vmem>>) semaphore(%arg27 : memref<!tpu.dma_semaphore, #tpu.memory_space<semaphore_mem>>)
        %dma_wait3A_205 = arith.constant 0 : i32
        %dma_wait3A_206 = arith.constant 0 : i32
        %dma_wait3A_207 = tpu.memref_slice %arg5[%dma_wait3A_205, %dma_wait3A_206] : memref<10000x128xf32, #tpu.memory_space<hbm>> -> memref<10000x128xf32, #tpu.memory_space<hbm>>
        tpu.wait_indirect_dma semaphore(%arg27 : memref<!tpu.dma_semaphore, #tpu.memory_space<semaphore_mem>>) src(%dma_wait3A_207 : memref<10000x128xf32, #tpu.memory_space<hbm>>) dst(%arg17 : memref<80x128xf32, #tpu.memory_space<vmem>>)
        "tpu.region"() ({
          %run_scoped3A = tpu.sem_alloc : memref<!tpu.dma_semaphore, #tpu.memory_space<semaphore_mem>>
          %dma_start3A_208 = arith.constant 0 : i32
          %dma_start3A_209 = tpu.memref_slice %arg14[%mul3A_201, %dma_start3A_208] : memref<10000x128xf32, #tpu.memory_space<hbm>> -> memref<80x128xf32, #tpu.memory_space<hbm>>
          %dma_start3A_210 = arith.constant 0 : i32
          %dma_start3A_211 = tpu.memref_slice %arg14[%mul3A_201, %dma_start3A_210] : memref<10000x128xf32, #tpu.memory_space<hbm>> -> memref<80x128xf32, #tpu.memory_space<hbm>>
          tpu.enqueue_dma source(%arg17 : memref<80x128xf32, #tpu.memory_space<vmem>>) target(%dma_start3A_211 : memref<80x128xf32, #tpu.memory_space<hbm>>) target_semaphore(%run_scoped3A : memref<!tpu.dma_semaphore, #tpu.memory_space<semaphore_mem>>)
          %dma_wait3A_212 = arith.constant 0 : i32
          %dma_wait3A_213 = tpu.memref_slice %arg14[%mul3A_201, %dma_wait3A_212] : memref<10000x128xf32, #tpu.memory_space<hbm>> -> memref<80x128xf32, #tpu.memory_space<hbm>>
          %dma_wait3A_214 = arith.constant 0 : i32
          %dma_wait3A_215 = tpu.memref_slice %arg14[%mul3A_201, %dma_wait3A_214] : memref<10000x128xf32, #tpu.memory_space<hbm>> -> memref<80x128xf32, #tpu.memory_space<hbm>>
          tpu.wait_dma2 semaphore(%run_scoped3A : memref<!tpu.dma_semaphore, #tpu.memory_space<semaphore_mem>>) src(%arg17 : memref<80x128xf32, #tpu.memory_space<vmem>>) dst(%dma_wait3A_215 : memref<80x128xf32, #tpu.memory_space<hbm>>)
          tpu.yield
        }) : () -> ()
      } else {
      }
      %scan3A_199 = arith.constant 0 : i32
      scf.yield %scan3A_199 : i32
    }
    %scan3A_191 = arith.constant 4 : i32
    return
  }
}

module attributes {stable_mosaic.version = 14 : i64} {
  func.func @_qkv_body(%arg0: i32, %arg1: memref<2000x128xf32, #tpu.memory_space<vmem>>, %arg2: memref<128x384xf32, #tpu.memory_space<vmem>>, %arg3: memref<1x384xf32, #tpu.memory_space<vmem>>, %arg4: memref<2000x128xf32, #tpu.memory_space<vmem>>, %arg5: memref<2000x128xf32, #tpu.memory_space<vmem>>) attributes {dimension_semantics = [#tpu.dimension_semantics<arbitrary>], iteration_bounds = array<i64: 5>, scalar_prefetch = 0 : i64, scratch_operands = 0 : i64, tpu.core_type = #tpu.core_type<tc>, window_params = [{transform_indices = @transform_0, window_bounds = array<i64: 2000, 128>}, {pipeline_mode = #tpu.pipeline_mode<synchronous>, transform_indices = @transform_1, window_bounds = array<i64: 128, 384>}, {pipeline_mode = #tpu.pipeline_mode<synchronous>, transform_indices = @transform_2, window_bounds = array<i64: 1, 384>}, {transform_indices = @transform_3, window_bounds = array<i64: 2000, 128>}, {transform_indices = @transform_4, window_bounds = array<i64: 2000, 128>}]} {
    %get3A = arith.constant 0 : index
    %get3A_0 = arith.constant 0 : index
    %get3A_1 = vector.load %arg1[%get3A, %get3A_0] : memref<2000x128xf32, #tpu.memory_space<vmem>>, vector<2000x128xf32>
    %get3A_2 = arith.constant 0 : index
    %get3A_3 = arith.constant 0 : index
    %get3A_4 = vector.load %arg2[%get3A_2, %get3A_3] : memref<128x384xf32, #tpu.memory_space<vmem>>, vector<128x384xf32>
    %dot_general3A = arith.constant dense<0.000000e+00> : vector<2000x384xf32>
    %dot_general3A_5 = tpu.matmul %get3A_1, %get3A_4, %dot_general3A {dimension_numbers = #tpu.dot_dimension_numbers<[1], [0], [0], [1], [0, 0, 1, 1], [], []>, transpose_lhs_hint = false} : vector<2000x128xf32>, vector<128x384xf32>, vector<2000x384xf32> -> vector<2000x384xf32>
    %get3A_6 = arith.constant 0 : index
    %get3A_7 = arith.constant 0 : index
    %get3A_8 = vector.load %arg3[%get3A_6, %get3A_7] : memref<1x384xf32, #tpu.memory_space<vmem>>, vector<1x384xf32>
    %add3A = vector.broadcast %get3A_8 : vector<1x384xf32> to vector<2000x384xf32>
    %add3A_9 = arith.addf %dot_general3A_5, %add3A : vector<2000x384xf32>
    %slice3A = vector.extract_strided_slice %add3A_9 {offsets = [0, 0], sizes = [2000, 128], strides = [1, 1]} : vector<2000x384xf32> to vector<2000x128xf32>
    %swap3A = arith.constant 0 : index
    %swap3A_10 = arith.constant 0 : index
    %swap3A_11 = vector.load %arg4[%swap3A, %swap3A_10] : memref<2000x128xf32, #tpu.memory_space<vmem>>, vector<2000x128xf32>
    tpu.vector_store %arg4[%swap3A, %swap3A_10], %slice3A {strides = array<i32>} : memref<2000x128xf32, #tpu.memory_space<vmem>>, vector<2000x128xf32>,
    %slice3A_12 = vector.extract_strided_slice %add3A_9 {offsets = [0, 128], sizes = [2000, 128], strides = [1, 1]} : vector<2000x384xf32> to vector<2000x128xf32>
    %convert_element_type3A = arith.truncf %slice3A_12 : vector<2000x128xf32> to vector<2000x128xbf16>
    %convert_element_type3A_13 = arith.extf %convert_element_type3A : vector<2000x128xbf16> to vector<2000x128xf32>
    %bitcast_convert_type3A = tpu.bitcast %convert_element_type3A_13 : vector<2000x128xf32> -> vector<2000x128xi32>
    %slice3A_14 = vector.extract_strided_slice %add3A_9 {offsets = [0, 256], sizes = [2000, 128], strides = [1, 1]} : vector<2000x384xf32> to vector<2000x128xf32>
    %convert_element_type3A_15 = arith.truncf %slice3A_14 : vector<2000x128xf32> to vector<2000x128xbf16>
    %convert_element_type3A_16 = arith.extf %convert_element_type3A_15 : vector<2000x128xbf16> to vector<2000x128xf32>
    %bitcast_convert_type3A_17 = tpu.bitcast %convert_element_type3A_16 : vector<2000x128xf32> -> vector<2000x128xi32>
    %shift_right_logical3A = arith.constant 16 : i32
    %shift_right_logical3A_18 = vector.broadcast %shift_right_logical3A : i32 to vector<2000x128xi32>
    %shift_right_logical3A_19 = arith.shrui %bitcast_convert_type3A, %shift_right_logical3A_18 : vector<2000x128xi32>
    %or3A = arith.ori %shift_right_logical3A_19, %bitcast_convert_type3A_17 : vector<2000x128xi32>
    %bitcast_convert_type3A_20 = tpu.bitcast %or3A : vector<2000x128xi32> -> vector<2000x128xf32>
    %swap3A_21 = arith.constant 0 : index
    %swap3A_22 = arith.constant 0 : index
    %swap3A_23 = vector.load %arg5[%swap3A_21, %swap3A_22] : memref<2000x128xf32, #tpu.memory_space<vmem>>, vector<2000x128xf32>
    tpu.vector_store %arg5[%swap3A_21, %swap3A_22], %bitcast_convert_type3A_20 {strides = array<i32>} : memref<2000x128xf32, #tpu.memory_space<vmem>>, vector<2000x128xf32>,
    return
  }
  func.func @transform_0(%arg0: i32) -> (i32, i32) {
    %c0_i32 = arith.constant 0 : i32
    %c0_i32_0 = arith.constant 0 : i32
    return %arg0, %c0_i32 : i32, i32
  }
  func.func @transform_1(%arg0: i32) -> (i32, i32) {
    %c0_i32 = arith.constant 0 : i32
    %c0_i32_0 = arith.constant 0 : i32
    %c0_i32_1 = arith.constant 0 : i32
    return %c0_i32, %c0_i32_0 : i32, i32
  }
  func.func @transform_2(%arg0: i32) -> (i32, i32) {
    %c0_i32 = arith.constant 0 : i32
    %c0_i32_0 = arith.constant 0 : i32
    %c0_i32_1 = arith.constant 0 : i32
    return %c0_i32, %c0_i32_0 : i32, i32
  }
  func.func @transform_3(%arg0: i32) -> (i32, i32) {
    %c0_i32 = arith.constant 0 : i32
    %c0_i32_0 = arith.constant 0 : i32
    return %arg0, %c0_i32 : i32, i32
  }
  func.func @transform_4(%arg0: i32) -> (i32, i32) {
    %c0_i32 = arith.constant 0 : i32
    %c0_i32_0 = arith.constant 0 : i32
    return %arg0, %c0_i32 : i32, i32
  }
}

module attributes {stable_mosaic.version = 14 : i64} {
  func.func @_passA_body(%arg0: i32, %arg1: memref<400x128xf32, #tpu.memory_space<vmem>>, %arg2: memref<32x128xf32, #tpu.memory_space<vmem>>, %arg3: memref<128x32xf32, #tpu.memory_space<vmem>>, %arg4: memref<1x32xf32, #tpu.memory_space<vmem>>, %arg5: memref<2x32xf32, #tpu.memory_space<vmem>>) attributes {dimension_semantics = [#tpu.dimension_semantics<arbitrary>], iteration_bounds = array<i64: 25>, scalar_prefetch = 0 : i64, scratch_operands = 0 : i64, tpu.core_type = #tpu.core_type<tc>, window_params = [{transform_indices = @transform_0, window_bounds = array<i64: 400, 128>}, {pipeline_mode = #tpu.pipeline_mode<synchronous>, transform_indices = @transform_1, window_bounds = array<i64: 32, 128>}, {pipeline_mode = #tpu.pipeline_mode<synchronous>, transform_indices = @transform_2, window_bounds = array<i64: 128, 32>}, {pipeline_mode = #tpu.pipeline_mode<synchronous>, transform_indices = @transform_3, window_bounds = array<i64: 1, 32>}, {pipeline_mode = #tpu.pipeline_mode<synchronous>, transform_indices = @transform_4, window_bounds = array<i64: 2, 32>}]} {
    %get3A = arith.constant 0 : index
    %get3A_0 = arith.constant 0 : index
    %get3A_1 = vector.load %arg1[%get3A, %get3A_0] : memref<400x128xf32, #tpu.memory_space<vmem>>, vector<400x128xf32>
    %broadcast_in_dim3A = vector.shape_cast %get3A_1 : vector<400x128xf32> to vector<400x1x128xf32>
    %broadcast_in_dim3A_2 = vector.shape_cast %broadcast_in_dim3A : vector<400x1x128xf32> to vector<400x1x128xf32>
    %broadcast_in_dim3A_3 = vector.broadcast %broadcast_in_dim3A_2 : vector<400x1x128xf32> to vector<400x32x128xf32>
    %get3A_4 = arith.constant 0 : index
    %get3A_5 = arith.constant 0 : index
    %get3A_6 = vector.load %arg2[%get3A_4, %get3A_5] : memref<32x128xf32, #tpu.memory_space<vmem>>, vector<32x128xf32>
    %broadcast_in_dim3A_7 = vector.shape_cast %get3A_6 : vector<32x128xf32> to vector<1x32x128xf32>
    %mul3A = vector.broadcast %broadcast_in_dim3A_7 : vector<1x32x128xf32> to vector<400x32x128xf32>
    %mul3A_8 = arith.mulf %broadcast_in_dim3A_3, %mul3A : vector<400x32x128xf32>
    %reshape3A = vector.shape_cast %mul3A_8 : vector<400x32x128xf32> to vector<12800x128xf32>
    %get3A_9 = arith.constant 0 : index
    %get3A_10 = arith.constant 0 : index
    %get3A_11 = vector.load %arg3[%get3A_9, %get3A_10] : memref<128x32xf32, #tpu.memory_space<vmem>>, vector<128x32xf32>
    %dot_general3A = arith.constant dense<0.000000e+00> : vector<12800x32xf32>
    %dot_general3A_12 = tpu.matmul %reshape3A, %get3A_11, %dot_general3A {dimension_numbers = #tpu.dot_dimension_numbers<[1], [0], [0], [1], [0, 0, 1, 1], [], []>, transpose_lhs_hint = false} : vector<12800x128xf32>, vector<128x32xf32>, vector<12800x32xf32> -> vector<12800x32xf32>
    %get3A_13 = arith.constant 0 : index
    %get3A_14 = arith.constant 0 : index
    %get3A_15 = vector.load %arg4[%get3A_13, %get3A_14] : memref<1x32xf32, #tpu.memory_space<vmem>>, vector<1x32xf32>
    %add3A = vector.broadcast %get3A_15 : vector<1x32xf32> to vector<12800x32xf32>
    %add3A_16 = arith.addf %dot_general3A_12, %add3A : vector<12800x32xf32>
    %reduce_sum3A = arith.constant dense<0.000000e+00> : vector<32xf32>
    %reduce_sum3A_17 = vector.multi_reduction <add>, %add3A_16, %reduce_sum3A [0] : vector<12800x32xf32> to vector<32xf32>
    %mul3A_18 = arith.mulf %add3A_16, %add3A_16 : vector<12800x32xf32>
    %reduce_sum3A_19 = arith.constant dense<0.000000e+00> : vector<32xf32>
    %reduce_sum3A_20 = vector.multi_reduction <add>, %mul3A_18, %reduce_sum3A_19 [0] : vector<12800x32xf32> to vector<32xf32>
    %eq3A = arith.constant 0 : i32
    %eq3A_21 = arith.cmpi eq, %arg0, %eq3A : i32
    %convert_element_type3A = arith.extui %eq3A_21 : i1 to i32
    %cond3A = arith.constant 0 : i32
    %cond3A_22 = arith.cmpi ne, %convert_element_type3A, %cond3A : i32
    scf.if %cond3A_22 {
      %broadcast_in_dim3A_42 = arith.constant 0.000000e+00 : f32
      %broadcast_in_dim3A_43 = vector.broadcast %broadcast_in_dim3A_42 : f32 to vector<2x32xf32>
      %swap3A_44 = arith.constant 0 : index
      %swap3A_45 = arith.constant 0 : index
      %swap3A_46 = vector.load %arg5[%swap3A_44, %swap3A_45] : memref<2x32xf32, #tpu.memory_space<vmem>>, vector<2x32xf32>
      tpu.vector_store %arg5[%swap3A_44, %swap3A_45], %broadcast_in_dim3A_43 {strides = array<i32>} : memref<2x32xf32, #tpu.memory_space<vmem>>, vector<2x32xf32>,
    } else {
    }
    %get3A_23 = arith.constant 0 : index
    %get3A_24 = arith.constant 0 : index
    %get3A_25 = vector.load %arg5[%get3A_23, %get3A_24] : memref<2x32xf32, #tpu.memory_space<vmem>>, vector<1x32xf32>
    %get3A_26 = vector.shape_cast %get3A_25 : vector<1x32xf32> to vector<32xf32>
    %add3A_27 = arith.addf %get3A_26, %reduce_sum3A_17 : vector<32xf32>
    %swap3A = arith.constant 0 : index
    %swap3A_28 = arith.constant 0 : index
    %swap3A_29 = vector.load %arg5[%swap3A, %swap3A_28] : memref<2x32xf32, #tpu.memory_space<vmem>>, vector<1x32xf32>
    %swap3A_30 = vector.shape_cast %swap3A_29 : vector<1x32xf32> to vector<32xf32>
    %swap3A_31 = vector.shape_cast %add3A_27 : vector<32xf32> to vector<1x32xf32>
    tpu.vector_store %arg5[%swap3A, %swap3A_28], %swap3A_31 {strides = array<i32>} : memref<2x32xf32, #tpu.memory_space<vmem>>, vector<1x32xf32>,
    %get3A_32 = arith.constant 1 : index
    %get3A_33 = arith.constant 0 : index
    %get3A_34 = vector.load %arg5[%get3A_32, %get3A_33] : memref<2x32xf32, #tpu.memory_space<vmem>>, vector<1x32xf32>
    %get3A_35 = vector.shape_cast %get3A_34 : vector<1x32xf32> to vector<32xf32>
    %add3A_36 = arith.addf %get3A_35, %reduce_sum3A_20 : vector<32xf32>
    %swap3A_37 = arith.constant 1 : index
    %swap3A_38 = arith.constant 0 : index
    %swap3A_39 = vector.load %arg5[%swap3A_37, %swap3A_38] : memref<2x32xf32, #tpu.memory_space<vmem>>, vector<1x32xf32>
    %swap3A_40 = vector.shape_cast %swap3A_39 : vector<1x32xf32> to vector<32xf32>
    %swap3A_41 = vector.shape_cast %add3A_36 : vector<32xf32> to vector<1x32xf32>
    tpu.vector_store %arg5[%swap3A_37, %swap3A_38], %swap3A_41 {strides = array<i32>} : memref<2x32xf32, #tpu.memory_space<vmem>>, vector<1x32xf32>,
    return
  }
  func.func @transform_0(%arg0: i32) -> (i32, i32) {
    %c0_i32 = arith.constant 0 : i32
    %c0_i32_0 = arith.constant 0 : i32
    return %arg0, %c0_i32 : i32, i32
  }
  func.func @transform_1(%arg0: i32) -> (i32, i32) {
    %c0_i32 = arith.constant 0 : i32
    %c0_i32_0 = arith.constant 0 : i32
    %c0_i32_1 = arith.constant 0 : i32
    return %c0_i32, %c0_i32_0 : i32, i32
  }
  func.func @transform_2(%arg0: i32) -> (i32, i32) {
    %c0_i32 = arith.constant 0 : i32
    %c0_i32_0 = arith.constant 0 : i32
    %c0_i32_1 = arith.constant 0 : i32
    return %c0_i32, %c0_i32_0 : i32, i32
  }
  func.func @transform_3(%arg0: i32) -> (i32, i32) {
    %c0_i32 = arith.constant 0 : i32
    %c0_i32_0 = arith.constant 0 : i32
    %c0_i32_1 = arith.constant 0 : i32
    return %c0_i32, %c0_i32_0 : i32, i32
  }
  func.func @transform_4(%arg0: i32) -> (i32, i32) {
    %c0_i32 = arith.constant 0 : i32
    %c0_i32_0 = arith.constant 0 : i32
    %c0_i32_1 = arith.constant 0 : i32
    return %c0_i32, %c0_i32_0 : i32, i32
  }
}

module attributes {stable_mosaic.version = 14 : i64} {
  func.func @_passB_body(%arg0: i32, %arg1: memref<12800x128xf32, #tpu.memory_space<vmem>>, %arg2: memref<400x128xf32, #tpu.memory_space<vmem>>, %arg3: memref<400x128xf32, #tpu.memory_space<vmem>>, %arg4: memref<32x128xf32, #tpu.memory_space<vmem>>, %arg5: memref<128x32xf32, #tpu.memory_space<vmem>>, %arg6: memref<1x32xf32, #tpu.memory_space<vmem>>, %arg7: memref<1x32xf32, #tpu.memory_space<vmem>>, %arg8: memref<32x128xf32, #tpu.memory_space<vmem>>, %arg9: memref<1x128xf32, #tpu.memory_space<vmem>>, %arg10: memref<2x128xf32, #tpu.memory_space<vmem>>) attributes {dimension_semantics = [#tpu.dimension_semantics<arbitrary>], iteration_bounds = array<i64: 25>, scalar_prefetch = 0 : i64, scratch_operands = 0 : i64, tpu.core_type = #tpu.core_type<tc>, window_params = [{transform_indices = @transform_0, window_bounds = array<i64: 12800, 128>}, {transform_indices = @transform_1, window_bounds = array<i64: 400, 128>}, {transform_indices = @transform_2, window_bounds = array<i64: 400, 128>}, {pipeline_mode = #tpu.pipeline_mode<synchronous>, transform_indices = @transform_3, window_bounds = array<i64: 32, 128>}, {pipeline_mode = #tpu.pipeline_mode<synchronous>, transform_indices = @transform_4, window_bounds = array<i64: 128, 32>}, {pipeline_mode = #tpu.pipeline_mode<synchronous>, transform_indices = @transform_5, window_bounds = array<i64: 1, 32>}, {pipeline_mode = #tpu.pipeline_mode<synchronous>, transform_indices = @transform_6, window_bounds = array<i64: 1, 32>}, {pipeline_mode = #tpu.pipeline_mode<synchronous>, transform_indices = @transform_7, window_bounds = array<i64: 32, 128>}, {pipeline_mode = #tpu.pipeline_mode<synchronous>, transform_indices = @transform_8, window_bounds = array<i64: 1, 128>}, {pipeline_mode = #tpu.pipeline_mode<synchronous>, transform_indices = @transform_9, window_bounds = array<i64: 2, 128>}]} {
    %get3A = arith.constant 0 : index
    %get3A_0 = arith.constant 0 : index
    %get3A_1 = vector.load %arg2[%get3A, %get3A_0] : memref<400x128xf32, #tpu.memory_space<vmem>>, vector<400x128xf32>
    %broadcast_in_dim3A = vector.shape_cast %get3A_1 : vector<400x128xf32> to vector<400x1x128xf32>
    %broadcast_in_dim3A_2 = vector.shape_cast %broadcast_in_dim3A : vector<400x1x128xf32> to vector<400x1x128xf32>
    %broadcast_in_dim3A_3 = vector.broadcast %broadcast_in_dim3A_2 : vector<400x1x128xf32> to vector<400x32x128xf32>
    %get3A_4 = arith.constant 0 : index
    %get3A_5 = arith.constant 0 : index
    %get3A_6 = vector.load %arg4[%get3A_4, %get3A_5] : memref<32x128xf32, #tpu.memory_space<vmem>>, vector<32x128xf32>
    %broadcast_in_dim3A_7 = vector.shape_cast %get3A_6 : vector<32x128xf32> to vector<1x32x128xf32>
    %mul3A = vector.broadcast %broadcast_in_dim3A_7 : vector<1x32x128xf32> to vector<400x32x128xf32>
    %mul3A_8 = arith.mulf %broadcast_in_dim3A_3, %mul3A : vector<400x32x128xf32>
    %reshape3A = vector.shape_cast %mul3A_8 : vector<400x32x128xf32> to vector<12800x128xf32>
    %get3A_9 = arith.constant 0 : index
    %get3A_10 = arith.constant 0 : index
    %get3A_11 = vector.load %arg5[%get3A_9, %get3A_10] : memref<128x32xf32, #tpu.memory_space<vmem>>, vector<128x32xf32>
    %dot_general3A = arith.constant dense<0.000000e+00> : vector<12800x32xf32>
    %dot_general3A_12 = tpu.matmul %reshape3A, %get3A_11, %dot_general3A {dimension_numbers = #tpu.dot_dimension_numbers<[1], [0], [0], [1], [0, 0, 1, 1], [], []>, transpose_lhs_hint = false} : vector<12800x128xf32>, vector<128x32xf32>, vector<12800x32xf32> -> vector<12800x32xf32>
    %get3A_13 = arith.constant 0 : index
    %get3A_14 = arith.constant 0 : index
    %get3A_15 = vector.load %arg6[%get3A_13, %get3A_14] : memref<1x32xf32, #tpu.memory_space<vmem>>, vector<1x32xf32>
    %mul3A_16 = vector.broadcast %get3A_15 : vector<1x32xf32> to vector<12800x32xf32>
    %mul3A_17 = arith.mulf %dot_general3A_12, %mul3A_16 : vector<12800x32xf32>
    %get3A_18 = arith.constant 0 : index
    %get3A_19 = arith.constant 0 : index
    %get3A_20 = vector.load %arg7[%get3A_18, %get3A_19] : memref<1x32xf32, #tpu.memory_space<vmem>>, vector<1x32xf32>
    %add3A = vector.broadcast %get3A_20 : vector<1x32xf32> to vector<12800x32xf32>
    %add3A_21 = arith.addf %mul3A_17, %add3A : vector<12800x32xf32>
    %ge3A = arith.constant 0.000000e+00 : f32
    %ge3A_22 = vector.broadcast %ge3A : f32 to vector<12800x32xf32>
    %ge3A_23 = arith.cmpf oge, %add3A_21, %ge3A_22 : vector<12800x32xf32>
    %mul3A_24 = arith.constant 1.000000e-01 : f32
    %mul3A_25 = vector.broadcast %mul3A_24 : f32 to vector<12800x32xf32>
    %mul3A_26 = arith.mulf %mul3A_25, %add3A_21 : vector<12800x32xf32>
    %select_n3A = arith.select %ge3A_23, %add3A_21, %mul3A_26 : vector<12800x32xi1>, vector<12800x32xf32>
    %get3A_27 = arith.constant 0 : index
    %get3A_28 = arith.constant 0 : index
    %get3A_29 = vector.load %arg8[%get3A_27, %get3A_28] : memref<32x128xf32, #tpu.memory_space<vmem>>, vector<32x128xf32>
    %dot_general3A_30 = arith.constant dense<0.000000e+00> : vector<12800x128xf32>
    %dot_general3A_31 = tpu.matmul %select_n3A, %get3A_29, %dot_general3A_30 {dimension_numbers = #tpu.dot_dimension_numbers<[1], [0], [0], [1], [0, 0, 1, 1], [], []>, transpose_lhs_hint = false} : vector<12800x32xf32>, vector<32x128xf32>, vector<12800x128xf32> -> vector<12800x128xf32>
    %get3A_32 = arith.constant 0 : index
    %get3A_33 = arith.constant 0 : index
    %get3A_34 = vector.load %arg9[%get3A_32, %get3A_33] : memref<1x128xf32, #tpu.memory_space<vmem>>, vector<1x128xf32>
    %add3A_35 = vector.broadcast %get3A_34 : vector<1x128xf32> to vector<12800x128xf32>
    %add3A_36 = arith.addf %dot_general3A_31, %add3A_35 : vector<12800x128xf32>
    %get3A_37 = arith.constant 0 : index
    %get3A_38 = arith.constant 0 : index
    %get3A_39 = vector.load %arg3[%get3A_37, %get3A_38] : memref<400x128xf32, #tpu.memory_space<vmem>>, vector<400x128xf32>
    %broadcast_in_dim3A_40 = vector.shape_cast %get3A_39 : vector<400x128xf32> to vector<400x1x128xf32>
    %broadcast_in_dim3A_41 = vector.shape_cast %broadcast_in_dim3A_40 : vector<400x1x128xf32> to vector<400x1x128xf32>
    %broadcast_in_dim3A_42 = vector.broadcast %broadcast_in_dim3A_41 : vector<400x1x128xf32> to vector<400x32x128xf32>
    %reshape3A_43 = vector.shape_cast %broadcast_in_dim3A_42 : vector<400x32x128xf32> to vector<12800x128xf32>
    %get3A_44 = arith.constant 0 : index
    %get3A_45 = arith.constant 0 : index
    %get3A_46 = vector.load %arg1[%get3A_44, %get3A_45] : memref<12800x128xf32, #tpu.memory_space<vmem>>, vector<12800x128xf32>
    %bitcast_convert_type3A = tpu.bitcast %get3A_46 : vector<12800x128xf32> -> vector<12800x128xi32>
    %shift_left3A = arith.constant 16 : i32
    %shift_left3A_47 = vector.broadcast %shift_left3A : i32 to vector<12800x128xi32>
    %shift_left3A_48 = arith.shli %bitcast_convert_type3A, %shift_left3A_47 : vector<12800x128xi32>
    %bitcast_convert_type3A_49 = tpu.bitcast %shift_left3A_48 : vector<12800x128xi32> -> vector<12800x128xf32>
    %sub3A = arith.subf %reshape3A_43, %bitcast_convert_type3A_49 : vector<12800x128xf32>
    %sub3A_50 = arith.subf %sub3A, %add3A_36 : vector<12800x128xf32>
    %reduce_sum3A = arith.constant dense<0.000000e+00> : vector<128xf32>
    %reduce_sum3A_51 = vector.multi_reduction <add>, %sub3A_50, %reduce_sum3A [0] : vector<12800x128xf32> to vector<128xf32>
    %mul3A_52 = arith.mulf %sub3A_50, %sub3A_50 : vector<12800x128xf32>
    %reduce_sum3A_53 = arith.constant dense<0.000000e+00> : vector<128xf32>
    %reduce_sum3A_54 = vector.multi_reduction <add>, %mul3A_52, %reduce_sum3A_53 [0] : vector<12800x128xf32> to vector<128xf32>
    %eq3A = arith.constant 0 : i32
    %eq3A_55 = arith.cmpi eq, %arg0, %eq3A : i32
    %convert_element_type3A = arith.extui %eq3A_55 : i1 to i32
    %cond3A = arith.constant 0 : i32
    %cond3A_56 = arith.cmpi ne, %convert_element_type3A, %cond3A : i32
    scf.if %cond3A_56 {
      %broadcast_in_dim3A_76 = arith.constant 0.000000e+00 : f32
      %broadcast_in_dim3A_77 = vector.broadcast %broadcast_in_dim3A_76 : f32 to vector<2x128xf32>
      %swap3A_78 = arith.constant 0 : index
      %swap3A_79 = arith.constant 0 : index
      %swap3A_80 = vector.load %arg10[%swap3A_78, %swap3A_79] : memref<2x128xf32, #tpu.memory_space<vmem>>, vector<2x128xf32>
      tpu.vector_store %arg10[%swap3A_78, %swap3A_79], %broadcast_in_dim3A_77 {strides = array<i32>} : memref<2x128xf32, #tpu.memory_space<vmem>>, vector<2x128xf32>,
    } else {
    }
    %get3A_57 = arith.constant 0 : index
    %get3A_58 = arith.constant 0 : index
    %get3A_59 = vector.load %arg10[%get3A_57, %get3A_58] : memref<2x128xf32, #tpu.memory_space<vmem>>, vector<1x128xf32>
    %get3A_60 = vector.shape_cast %get3A_59 : vector<1x128xf32> to vector<128xf32>
    %add3A_61 = arith.addf %get3A_60, %reduce_sum3A_51 : vector<128xf32>
    %swap3A = arith.constant 0 : index
    %swap3A_62 = arith.constant 0 : index
    %swap3A_63 = vector.load %arg10[%swap3A, %swap3A_62] : memref<2x128xf32, #tpu.memory_space<vmem>>, vector<1x128xf32>
    %swap3A_64 = vector.shape_cast %swap3A_63 : vector<1x128xf32> to vector<128xf32>
    %swap3A_65 = vector.shape_cast %add3A_61 : vector<128xf32> to vector<1x128xf32>
    tpu.vector_store %arg10[%swap3A, %swap3A_62], %swap3A_65 {strides = array<i32>} : memref<2x128xf32, #tpu.memory_space<vmem>>, vector<1x128xf32>,
    %get3A_66 = arith.constant 1 : index
    %get3A_67 = arith.constant 0 : index
    %get3A_68 = vector.load %arg10[%get3A_66, %get3A_67] : memref<2x128xf32, #tpu.memory_space<vmem>>, vector<1x128xf32>
    %get3A_69 = vector.shape_cast %get3A_68 : vector<1x128xf32> to vector<128xf32>
    %add3A_70 = arith.addf %get3A_69, %reduce_sum3A_54 : vector<128xf32>
    %swap3A_71 = arith.constant 1 : index
    %swap3A_72 = arith.constant 0 : index
    %swap3A_73 = vector.load %arg10[%swap3A_71, %swap3A_72] : memref<2x128xf32, #tpu.memory_space<vmem>>, vector<1x128xf32>
    %swap3A_74 = vector.shape_cast %swap3A_73 : vector<1x128xf32> to vector<128xf32>
    %swap3A_75 = vector.shape_cast %add3A_70 : vector<128xf32> to vector<1x128xf32>
    tpu.vector_store %arg10[%swap3A_71, %swap3A_72], %swap3A_75 {strides = array<i32>} : memref<2x128xf32, #tpu.memory_space<vmem>>, vector<1x128xf32>,
    return
  }
  func.func @transform_0(%arg0: i32) -> (i32, i32) {
    %c0_i32 = arith.constant 0 : i32
    %c0_i32_0 = arith.constant 0 : i32
    return %arg0, %c0_i32 : i32, i32
  }
  func.func @transform_1(%arg0: i32) -> (i32, i32) {
    %c0_i32 = arith.constant 0 : i32
    %c0_i32_0 = arith.constant 0 : i32
    return %arg0, %c0_i32 : i32, i32
  }
  func.func @transform_2(%arg0: i32) -> (i32, i32) {
    %c0_i32 = arith.constant 0 : i32
    %c0_i32_0 = arith.constant 0 : i32
    return %arg0, %c0_i32 : i32, i32
  }
  func.func @transform_3(%arg0: i32) -> (i32, i32) {
    %c0_i32 = arith.constant 0 : i32
    %c0_i32_0 = arith.constant 0 : i32
    %c0_i32_1 = arith.constant 0 : i32
    return %c0_i32, %c0_i32_0 : i32, i32
  }
  func.func @transform_4(%arg0: i32) -> (i32, i32) {
    %c0_i32 = arith.constant 0 : i32
    %c0_i32_0 = arith.constant 0 : i32
    %c0_i32_1 = arith.constant 0 : i32
    return %c0_i32, %c0_i32_0 : i32, i32
  }
  func.func @transform_5(%arg0: i32) -> (i32, i32) {
    %c0_i32 = arith.constant 0 : i32
    %c0_i32_0 = arith.constant 0 : i32
    %c0_i32_1 = arith.constant 0 : i32
    return %c0_i32, %c0_i32_0 : i32, i32
  }
  func.func @transform_6(%arg0: i32) -> (i32, i32) {
    %c0_i32 = arith.constant 0 : i32
    %c0_i32_0 = arith.constant 0 : i32
    %c0_i32_1 = arith.constant 0 : i32
    return %c0_i32, %c0_i32_0 : i32, i32
  }
  func.func @transform_7(%arg0: i32) -> (i32, i32) {
    %c0_i32 = arith.constant 0 : i32
    %c0_i32_0 = arith.constant 0 : i32
    %c0_i32_1 = arith.constant 0 : i32
    return %c0_i32, %c0_i32_0 : i32, i32
  }
  func.func @transform_8(%arg0: i32) -> (i32, i32) {
    %c0_i32 = arith.constant 0 : i32
    %c0_i32_0 = arith.constant 0 : i32
    %c0_i32_1 = arith.constant 0 : i32
    return %c0_i32, %c0_i32_0 : i32, i32
  }
  func.func @transform_9(%arg0: i32) -> (i32, i32) {
    %c0_i32 = arith.constant 0 : i32
    %c0_i32_0 = arith.constant 0 : i32
    %c0_i32_1 = arith.constant 0 : i32
    return %c0_i32, %c0_i32_0 : i32, i32
  }
}

module attributes {stable_mosaic.version = 14 : i64} {
  func.func @_passC_body(%arg0: i32, %arg1: memref<12800x128xf32, #tpu.memory_space<vmem>>, %arg2: memref<400x128xf32, #tpu.memory_space<vmem>>, %arg3: memref<400x128xf32, #tpu.memory_space<vmem>>, %arg4: memref<32x128xf32, #tpu.memory_space<vmem>>, %arg5: memref<128x32xf32, #tpu.memory_space<vmem>>, %arg6: memref<1x32xf32, #tpu.memory_space<vmem>>, %arg7: memref<1x32xf32, #tpu.memory_space<vmem>>, %arg8: memref<32x128xf32, #tpu.memory_space<vmem>>, %arg9: memref<1x128xf32, #tpu.memory_space<vmem>>, %arg10: memref<1x128xf32, #tpu.memory_space<vmem>>, %arg11: memref<1x128xf32, #tpu.memory_space<vmem>>, %arg12: memref<128x16xf32, #tpu.memory_space<vmem>>, %arg13: memref<1x16xf32, #tpu.memory_space<vmem>>, %arg14: memref<16x128xf32, #tpu.memory_space<vmem>>, %arg15: memref<32x128xf32, #tpu.memory_space<vmem>>, %arg16: memref<1600x128xf32, #tpu.memory_space<vmem>>, %arg17: memref<2x16xf32, #tpu.memory_space<vmem>>) attributes {dimension_semantics = [#tpu.dimension_semantics<arbitrary>], iteration_bounds = array<i64: 25>, scalar_prefetch = 0 : i64, scratch_operands = 0 : i64, tpu.core_type = #tpu.core_type<tc>, window_params = [{transform_indices = @transform_0, window_bounds = array<i64: 12800, 128>}, {transform_indices = @transform_1, window_bounds = array<i64: 400, 128>}, {transform_indices = @transform_2, window_bounds = array<i64: 400, 128>}, {pipeline_mode = #tpu.pipeline_mode<synchronous>, transform_indices = @transform_3, window_bounds = array<i64: 32, 128>}, {pipeline_mode = #tpu.pipeline_mode<synchronous>, transform_indices = @transform_4, window_bounds = array<i64: 128, 32>}, {pipeline_mode = #tpu.pipeline_mode<synchronous>, transform_indices = @transform_5, window_bounds = array<i64: 1, 32>}, {pipeline_mode = #tpu.pipeline_mode<synchronous>, transform_indices = @transform_6, window_bounds = array<i64: 1, 32>}, {pipeline_mode = #tpu.pipeline_mode<synchronous>, transform_indices = @transform_7, window_bounds = array<i64: 32, 128>}, {pipeline_mode = #tpu.pipeline_mode<synchronous>, transform_indices = @transform_8, window_bounds = array<i64: 1, 128>}, {pipeline_mode = #tpu.pipeline_mode<synchronous>, transform_indices = @transform_9, window_bounds = array<i64: 1, 128>}, {pipeline_mode = #tpu.pipeline_mode<synchronous>, transform_indices = @transform_10, window_bounds = array<i64: 1, 128>}, {pipeline_mode = #tpu.pipeline_mode<synchronous>, transform_indices = @transform_11, window_bounds = array<i64: 128, 16>}, {pipeline_mode = #tpu.pipeline_mode<synchronous>, transform_indices = @transform_12, window_bounds = array<i64: 1, 16>}, {pipeline_mode = #tpu.pipeline_mode<synchronous>, transform_indices = @transform_13, window_bounds = array<i64: 16, 128>}, {pipeline_mode = #tpu.pipeline_mode<synchronous>, transform_indices = @transform_14, window_bounds = array<i64: 32, 128>}, {transform_indices = @transform_15, window_bounds = array<i64: 1600, 128>}, {pipeline_mode = #tpu.pipeline_mode<synchronous>, transform_indices = @transform_16, window_bounds = array<i64: 2, 16>}]} {
    %get3A = arith.constant 0 : index
    %get3A_0 = arith.constant 0 : index
    %get3A_1 = vector.load %arg2[%get3A, %get3A_0] : memref<400x128xf32, #tpu.memory_space<vmem>>, vector<400x128xf32>
    %broadcast_in_dim3A = vector.shape_cast %get3A_1 : vector<400x128xf32> to vector<400x1x128xf32>
    %broadcast_in_dim3A_2 = vector.shape_cast %broadcast_in_dim3A : vector<400x1x128xf32> to vector<400x1x128xf32>
    %broadcast_in_dim3A_3 = vector.broadcast %broadcast_in_dim3A_2 : vector<400x1x128xf32> to vector<400x32x128xf32>
    %get3A_4 = arith.constant 0 : index
    %get3A_5 = arith.constant 0 : index
    %get3A_6 = vector.load %arg4[%get3A_4, %get3A_5] : memref<32x128xf32, #tpu.memory_space<vmem>>, vector<32x128xf32>
    %broadcast_in_dim3A_7 = vector.shape_cast %get3A_6 : vector<32x128xf32> to vector<1x32x128xf32>
    %mul3A = vector.broadcast %broadcast_in_dim3A_7 : vector<1x32x128xf32> to vector<400x32x128xf32>
    %mul3A_8 = arith.mulf %broadcast_in_dim3A_3, %mul3A : vector<400x32x128xf32>
    %reshape3A = vector.shape_cast %mul3A_8 : vector<400x32x128xf32> to vector<12800x128xf32>
    %get3A_9 = arith.constant 0 : index
    %get3A_10 = arith.constant 0 : index
    %get3A_11 = vector.load %arg5[%get3A_9, %get3A_10] : memref<128x32xf32, #tpu.memory_space<vmem>>, vector<128x32xf32>
    %dot_general3A = arith.constant dense<0.000000e+00> : vector<12800x32xf32>
    %dot_general3A_12 = tpu.matmul %reshape3A, %get3A_11, %dot_general3A {dimension_numbers = #tpu.dot_dimension_numbers<[1], [0], [0], [1], [0, 0, 1, 1], [], []>, transpose_lhs_hint = false} : vector<12800x128xf32>, vector<128x32xf32>, vector<12800x32xf32> -> vector<12800x32xf32>
    %get3A_13 = arith.constant 0 : index
    %get3A_14 = arith.constant 0 : index
    %get3A_15 = vector.load %arg6[%get3A_13, %get3A_14] : memref<1x32xf32, #tpu.memory_space<vmem>>, vector<1x32xf32>
    %mul3A_16 = vector.broadcast %get3A_15 : vector<1x32xf32> to vector<12800x32xf32>
    %mul3A_17 = arith.mulf %dot_general3A_12, %mul3A_16 : vector<12800x32xf32>
    %get3A_18 = arith.constant 0 : index
    %get3A_19 = arith.constant 0 : index
    %get3A_20 = vector.load %arg7[%get3A_18, %get3A_19] : memref<1x32xf32, #tpu.memory_space<vmem>>, vector<1x32xf32>
    %add3A = vector.broadcast %get3A_20 : vector<1x32xf32> to vector<12800x32xf32>
    %add3A_21 = arith.addf %mul3A_17, %add3A : vector<12800x32xf32>
    %ge3A = arith.constant 0.000000e+00 : f32
    %ge3A_22 = vector.broadcast %ge3A : f32 to vector<12800x32xf32>
    %ge3A_23 = arith.cmpf oge, %add3A_21, %ge3A_22 : vector<12800x32xf32>
    %mul3A_24 = arith.constant 1.000000e-01 : f32
    %mul3A_25 = vector.broadcast %mul3A_24 : f32 to vector<12800x32xf32>
    %mul3A_26 = arith.mulf %mul3A_25, %add3A_21 : vector<12800x32xf32>
    %select_n3A = arith.select %ge3A_23, %add3A_21, %mul3A_26 : vector<12800x32xi1>, vector<12800x32xf32>
    %get3A_27 = arith.constant 0 : index
    %get3A_28 = arith.constant 0 : index
    %get3A_29 = vector.load %arg8[%get3A_27, %get3A_28] : memref<32x128xf32, #tpu.memory_space<vmem>>, vector<32x128xf32>
    %dot_general3A_30 = arith.constant dense<0.000000e+00> : vector<12800x128xf32>
    %dot_general3A_31 = tpu.matmul %select_n3A, %get3A_29, %dot_general3A_30 {dimension_numbers = #tpu.dot_dimension_numbers<[1], [0], [0], [1], [0, 0, 1, 1], [], []>, transpose_lhs_hint = false} : vector<12800x32xf32>, vector<32x128xf32>, vector<12800x128xf32> -> vector<12800x128xf32>
    %get3A_32 = arith.constant 0 : index
    %get3A_33 = arith.constant 0 : index
    %get3A_34 = vector.load %arg9[%get3A_32, %get3A_33] : memref<1x128xf32, #tpu.memory_space<vmem>>, vector<1x128xf32>
    %add3A_35 = vector.broadcast %get3A_34 : vector<1x128xf32> to vector<12800x128xf32>
    %add3A_36 = arith.addf %dot_general3A_31, %add3A_35 : vector<12800x128xf32>
    %get3A_37 = arith.constant 0 : index
    %get3A_38 = arith.constant 0 : index
    %get3A_39 = vector.load %arg3[%get3A_37, %get3A_38] : memref<400x128xf32, #tpu.memory_space<vmem>>, vector<400x128xf32>
    %broadcast_in_dim3A_40 = vector.shape_cast %get3A_39 : vector<400x128xf32> to vector<400x1x128xf32>
    %broadcast_in_dim3A_41 = vector.shape_cast %broadcast_in_dim3A_40 : vector<400x1x128xf32> to vector<400x1x128xf32>
    %broadcast_in_dim3A_42 = vector.broadcast %broadcast_in_dim3A_41 : vector<400x1x128xf32> to vector<400x32x128xf32>
    %reshape3A_43 = vector.shape_cast %broadcast_in_dim3A_42 : vector<400x32x128xf32> to vector<12800x128xf32>
    %get3A_44 = arith.constant 0 : index
    %get3A_45 = arith.constant 0 : index
    %get3A_46 = vector.load %arg1[%get3A_44, %get3A_45] : memref<12800x128xf32, #tpu.memory_space<vmem>>, vector<12800x128xf32>
    %bitcast_convert_type3A = tpu.bitcast %get3A_46 : vector<12800x128xf32> -> vector<12800x128xi32>
    %shift_left3A = arith.constant 16 : i32
    %shift_left3A_47 = vector.broadcast %shift_left3A : i32 to vector<12800x128xi32>
    %shift_left3A_48 = arith.shli %bitcast_convert_type3A, %shift_left3A_47 : vector<12800x128xi32>
    %bitcast_convert_type3A_49 = tpu.bitcast %shift_left3A_48 : vector<12800x128xi32> -> vector<12800x128xf32>
    %sub3A = arith.subf %reshape3A_43, %bitcast_convert_type3A_49 : vector<12800x128xf32>
    %sub3A_50 = arith.subf %sub3A, %add3A_36 : vector<12800x128xf32>
    %get3A_51 = arith.constant 0 : index
    %get3A_52 = arith.constant 0 : index
    %get3A_53 = vector.load %arg10[%get3A_51, %get3A_52] : memref<1x128xf32, #tpu.memory_space<vmem>>, vector<1x128xf32>
    %mul3A_54 = vector.broadcast %get3A_53 : vector<1x128xf32> to vector<12800x128xf32>
    %mul3A_55 = arith.mulf %sub3A_50, %mul3A_54 : vector<12800x128xf32>
    %get3A_56 = arith.constant 0 : index
    %get3A_57 = arith.constant 0 : index
    %get3A_58 = vector.load %arg11[%get3A_56, %get3A_57] : memref<1x128xf32, #tpu.memory_space<vmem>>, vector<1x128xf32>
    %add3A_59 = vector.broadcast %get3A_58 : vector<1x128xf32> to vector<12800x128xf32>
    %add3A_60 = arith.addf %mul3A_55, %add3A_59 : vector<12800x128xf32>
    %ge3A_61 = arith.constant 0.000000e+00 : f32
    %ge3A_62 = vector.broadcast %ge3A_61 : f32 to vector<12800x128xf32>
    %ge3A_63 = arith.cmpf oge, %add3A_60, %ge3A_62 : vector<12800x128xf32>
    %mul3A_64 = arith.constant 1.000000e-01 : f32
    %mul3A_65 = vector.broadcast %mul3A_64 : f32 to vector<12800x128xf32>
    %mul3A_66 = arith.mulf %mul3A_65, %add3A_60 : vector<12800x128xf32>
    %select_n3A_67 = arith.select %ge3A_63, %add3A_60, %mul3A_66 : vector<12800x128xi1>, vector<12800x128xf32>
    %get3A_68 = arith.constant 0 : index
    %get3A_69 = arith.constant 0 : index
    %get3A_70 = vector.load %arg12[%get3A_68, %get3A_69] : memref<128x16xf32, #tpu.memory_space<vmem>>, vector<128x16xf32>
    %dot_general3A_71 = arith.constant dense<0.000000e+00> : vector<12800x16xf32>
    %dot_general3A_72 = tpu.matmul %select_n3A_67, %get3A_70, %dot_general3A_71 {dimension_numbers = #tpu.dot_dimension_numbers<[1], [0], [0], [1], [0, 0, 1, 1], [], []>, transpose_lhs_hint = false} : vector<12800x128xf32>, vector<128x16xf32>, vector<12800x16xf32> -> vector<12800x16xf32>
    %get3A_73 = arith.constant 0 : index
    %get3A_74 = arith.constant 0 : index
    %get3A_75 = vector.load %arg13[%get3A_73, %get3A_74] : memref<1x16xf32, #tpu.memory_space<vmem>>, vector<1x16xf32>
    %add3A_76 = vector.broadcast %get3A_75 : vector<1x16xf32> to vector<12800x16xf32>
    %add3A_77 = arith.addf %dot_general3A_72, %add3A_76 : vector<12800x16xf32>
    %get3A_78 = arith.constant 0 : index
    %get3A_79 = arith.constant 0 : index
    %get3A_80 = vector.load %arg14[%get3A_78, %get3A_79] : memref<16x128xf32, #tpu.memory_space<vmem>>, vector<16x128xf32>
    %dot_general3A_81 = arith.constant dense<0.000000e+00> : vector<12800x128xf32>
    %dot_general3A_82 = tpu.matmul %add3A_77, %get3A_80, %dot_general3A_81 {dimension_numbers = #tpu.dot_dimension_numbers<[1], [0], [0], [1], [0, 0, 1, 1], [], []>, transpose_lhs_hint = false} : vector<12800x16xf32>, vector<16x128xf32>, vector<12800x128xf32> -> vector<12800x128xf32>
    %reshape3A_83 = vector.shape_cast %dot_general3A_82 : vector<12800x128xf32> to vector<400x32x128xf32>
    %get3A_84 = arith.constant 0 : index
    %get3A_85 = arith.constant 0 : index
    %get3A_86 = vector.load %arg15[%get3A_84, %get3A_85] : memref<32x128xf32, #tpu.memory_space<vmem>>, vector<32x128xf32>
    %broadcast_in_dim3A_87 = vector.shape_cast %get3A_86 : vector<32x128xf32> to vector<1x32x128xf32>
    %mul3A_88 = vector.broadcast %broadcast_in_dim3A_87 : vector<1x32x128xf32> to vector<400x32x128xf32>
    %mul3A_89 = arith.mulf %reshape3A_83, %mul3A_88 : vector<400x32x128xf32>
    %reshape3A_90 = vector.shape_cast %mul3A_89 : vector<400x32x128xf32> to vector<1600x8x128xf32>
    %reduce_sum3A = arith.constant dense<0.000000e+00> : vector<1600x128xf32>
    %reduce_sum3A_91 = vector.multi_reduction <add>, %reshape3A_90, %reduce_sum3A [1] : vector<1600x8x128xf32> to vector<1600x128xf32>
    %swap3A = arith.constant 0 : index
    %swap3A_92 = arith.constant 0 : index
    %swap3A_93 = vector.load %arg16[%swap3A, %swap3A_92] : memref<1600x128xf32, #tpu.memory_space<vmem>>, vector<1600x128xf32>
    tpu.vector_store %arg16[%swap3A, %swap3A_92], %reduce_sum3A_91 {strides = array<i32>} : memref<1600x128xf32, #tpu.memory_space<vmem>>, vector<1600x128xf32>,
    %reduce_sum3A_94 = arith.constant dense<0.000000e+00> : vector<16xf32>
    %reduce_sum3A_95 = vector.multi_reduction <add>, %add3A_77, %reduce_sum3A_94 [0] : vector<12800x16xf32> to vector<16xf32>
    %mul3A_96 = arith.mulf %add3A_77, %add3A_77 : vector<12800x16xf32>
    %reduce_sum3A_97 = arith.constant dense<0.000000e+00> : vector<16xf32>
    %reduce_sum3A_98 = vector.multi_reduction <add>, %mul3A_96, %reduce_sum3A_97 [0] : vector<12800x16xf32> to vector<16xf32>
    %eq3A = arith.constant 0 : i32
    %eq3A_99 = arith.cmpi eq, %arg0, %eq3A : i32
    %convert_element_type3A = arith.extui %eq3A_99 : i1 to i32
    %cond3A = arith.constant 0 : i32
    %cond3A_100 = arith.cmpi ne, %convert_element_type3A, %cond3A : i32
    scf.if %cond3A_100 {
      %broadcast_in_dim3A_121 = arith.constant 0.000000e+00 : f32
      %broadcast_in_dim3A_122 = vector.broadcast %broadcast_in_dim3A_121 : f32 to vector<2x16xf32>
      %swap3A_123 = arith.constant 0 : index
      %swap3A_124 = arith.constant 0 : index
      %swap3A_125 = vector.load %arg17[%swap3A_123, %swap3A_124] : memref<2x16xf32, #tpu.memory_space<vmem>>, vector<2x16xf32>
      tpu.vector_store %arg17[%swap3A_123, %swap3A_124], %broadcast_in_dim3A_122 {strides = array<i32>} : memref<2x16xf32, #tpu.memory_space<vmem>>, vector<2x16xf32>,
    } else {
    }
    %get3A_101 = arith.constant 0 : index
    %get3A_102 = arith.constant 0 : index
    %get3A_103 = vector.load %arg17[%get3A_101, %get3A_102] : memref<2x16xf32, #tpu.memory_space<vmem>>, vector<1x16xf32>
    %get3A_104 = vector.shape_cast %get3A_103 : vector<1x16xf32> to vector<16xf32>
    %add3A_105 = arith.addf %get3A_104, %reduce_sum3A_95 : vector<16xf32>
    %swap3A_106 = arith.constant 0 : index
    %swap3A_107 = arith.constant 0 : index
    %swap3A_108 = vector.load %arg17[%swap3A_106, %swap3A_107] : memref<2x16xf32, #tpu.memory_space<vmem>>, vector<1x16xf32>
    %swap3A_109 = vector.shape_cast %swap3A_108 : vector<1x16xf32> to vector<16xf32>
    %swap3A_110 = vector.shape_cast %add3A_105 : vector<16xf32> to vector<1x16xf32>
    tpu.vector_store %arg17[%swap3A_106, %swap3A_107], %swap3A_110 {strides = array<i32>} : memref<2x16xf32, #tpu.memory_space<vmem>>, vector<1x16xf32>,
    %get3A_111 = arith.constant 1 : index
    %get3A_112 = arith.constant 0 : index
    %get3A_113 = vector.load %arg17[%get3A_111, %get3A_112] : memref<2x16xf32, #tpu.memory_space<vmem>>, vector<1x16xf32>
    %get3A_114 = vector.shape_cast %get3A_113 : vector<1x16xf32> to vector<16xf32>
    %add3A_115 = arith.addf %get3A_114, %reduce_sum3A_98 : vector<16xf32>
    %swap3A_116 = arith.constant 1 : index
    %swap3A_117 = arith.constant 0 : index
    %swap3A_118 = vector.load %arg17[%swap3A_116, %swap3A_117] : memref<2x16xf32, #tpu.memory_space<vmem>>, vector<1x16xf32>
    %swap3A_119 = vector.shape_cast %swap3A_118 : vector<1x16xf32> to vector<16xf32>
    %swap3A_120 = vector.shape_cast %add3A_115 : vector<16xf32> to vector<1x16xf32>
    tpu.vector_store %arg17[%swap3A_116, %swap3A_117], %swap3A_120 {strides = array<i32>} : memref<2x16xf32, #tpu.memory_space<vmem>>, vector<1x16xf32>,
    return
  }
  func.func @transform_0(%arg0: i32) -> (i32, i32) {
    %c0_i32 = arith.constant 0 : i32
    %c0_i32_0 = arith.constant 0 : i32
    return %arg0, %c0_i32 : i32, i32
  }
  func.func @transform_1(%arg0: i32) -> (i32, i32) {
    %c0_i32 = arith.constant 0 : i32
    %c0_i32_0 = arith.constant 0 : i32
    return %arg0, %c0_i32 : i32, i32
  }
  func.func @transform_2(%arg0: i32) -> (i32, i32) {
    %c0_i32 = arith.constant 0 : i32
    %c0_i32_0 = arith.constant 0 : i32
    return %arg0, %c0_i32 : i32, i32
  }
  func.func @transform_3(%arg0: i32) -> (i32, i32) {
    %c0_i32 = arith.constant 0 : i32
    %c0_i32_0 = arith.constant 0 : i32
    %c0_i32_1 = arith.constant 0 : i32
    return %c0_i32, %c0_i32_0 : i32, i32
  }
  func.func @transform_4(%arg0: i32) -> (i32, i32) {
    %c0_i32 = arith.constant 0 : i32
    %c0_i32_0 = arith.constant 0 : i32
    %c0_i32_1 = arith.constant 0 : i32
    return %c0_i32, %c0_i32_0 : i32, i32
  }
  func.func @transform_5(%arg0: i32) -> (i32, i32) {
    %c0_i32 = arith.constant 0 : i32
    %c0_i32_0 = arith.constant 0 : i32
    %c0_i32_1 = arith.constant 0 : i32
    return %c0_i32, %c0_i32_0 : i32, i32
  }
  func.func @transform_6(%arg0: i32) -> (i32, i32) {
    %c0_i32 = arith.constant 0 : i32
    %c0_i32_0 = arith.constant 0 : i32
    %c0_i32_1 = arith.constant 0 : i32
    return %c0_i32, %c0_i32_0 : i32, i32
  }
  func.func @transform_7(%arg0: i32) -> (i32, i32) {
    %c0_i32 = arith.constant 0 : i32
    %c0_i32_0 = arith.constant 0 : i32
    %c0_i32_1 = arith.constant 0 : i32
    return %c0_i32, %c0_i32_0 : i32, i32
  }
  func.func @transform_8(%arg0: i32) -> (i32, i32) {
    %c0_i32 = arith.constant 0 : i32
    %c0_i32_0 = arith.constant 0 : i32
    %c0_i32_1 = arith.constant 0 : i32
    return %c0_i32, %c0_i32_0 : i32, i32
  }
  func.func @transform_9(%arg0: i32) -> (i32, i32) {
    %c0_i32 = arith.constant 0 : i32
    %c0_i32_0 = arith.constant 0 : i32
    %c0_i32_1 = arith.constant 0 : i32
    return %c0_i32, %c0_i32_0 : i32, i32
  }
  func.func @transform_10(%arg0: i32) -> (i32, i32) {
    %c0_i32 = arith.constant 0 : i32
    %c0_i32_0 = arith.constant 0 : i32
    %c0_i32_1 = arith.constant 0 : i32
    return %c0_i32, %c0_i32_0 : i32, i32
  }
  func.func @transform_11(%arg0: i32) -> (i32, i32) {
    %c0_i32 = arith.constant 0 : i32
    %c0_i32_0 = arith.constant 0 : i32
    %c0_i32_1 = arith.constant 0 : i32
    return %c0_i32, %c0_i32_0 : i32, i32
  }
  func.func @transform_12(%arg0: i32) -> (i32, i32) {
    %c0_i32 = arith.constant 0 : i32
    %c0_i32_0 = arith.constant 0 : i32
    %c0_i32_1 = arith.constant 0 : i32
    return %c0_i32, %c0_i32_0 : i32, i32
  }
  func.func @transform_13(%arg0: i32) -> (i32, i32) {
    %c0_i32 = arith.constant 0 : i32
    %c0_i32_0 = arith.constant 0 : i32
    %c0_i32_1 = arith.constant 0 : i32
    return %c0_i32, %c0_i32_0 : i32, i32
  }
  func.func @transform_14(%arg0: i32) -> (i32, i32) {
    %c0_i32 = arith.constant 0 : i32
    %c0_i32_0 = arith.constant 0 : i32
    %c0_i32_1 = arith.constant 0 : i32
    return %c0_i32, %c0_i32_0 : i32, i32
  }
  func.func @transform_15(%arg0: i32) -> (i32, i32) {
    %c0_i32 = arith.constant 0 : i32
    %c0_i32_0 = arith.constant 0 : i32
    return %arg0, %c0_i32 : i32, i32
  }
  func.func @transform_16(%arg0: i32) -> (i32, i32) {
    %c0_i32 = arith.constant 0 : i32
    %c0_i32_0 = arith.constant 0 : i32
    %c0_i32_1 = arith.constant 0 : i32
    return %c0_i32, %c0_i32_0 : i32, i32
  }
}

module attributes {stable_mosaic.version = 14 : i64} {
  func.func @_passD_body(%arg0: i32, %arg1: memref<12800x128xf32, #tpu.memory_space<vmem>>, %arg2: memref<400x128xf32, #tpu.memory_space<vmem>>, %arg3: memref<1600x128xf32, #tpu.memory_space<vmem>>, %arg4: memref<32x128xf32, #tpu.memory_space<vmem>>, %arg5: memref<128x32xf32, #tpu.memory_space<vmem>>, %arg6: memref<1x32xf32, #tpu.memory_space<vmem>>, %arg7: memref<1x32xf32, #tpu.memory_space<vmem>>, %arg8: memref<32x128xf32, #tpu.memory_space<vmem>>, %arg9: memref<1x128xf32, #tpu.memory_space<vmem>>, %arg10: memref<1x128xf32, #tpu.memory_space<vmem>>, %arg11: memref<1x128xf32, #tpu.memory_space<vmem>>, %arg12: memref<128x128xf32, #tpu.memory_space<vmem>>, %arg13: memref<1x128xf32, #tpu.memory_space<vmem>>, %arg14: memref<32x128xf32, #tpu.memory_space<vmem>>, %arg15: memref<128x128xf32, #tpu.memory_space<vmem>>, %arg16: memref<400x128xf32, #tpu.memory_space<vmem>>) attributes {dimension_semantics = [#tpu.dimension_semantics<arbitrary>], iteration_bounds = array<i64: 25>, scalar_prefetch = 0 : i64, scratch_operands = 0 : i64, tpu.core_type = #tpu.core_type<tc>, window_params = [{transform_indices = @transform_0, window_bounds = array<i64: 12800, 128>}, {transform_indices = @transform_1, window_bounds = array<i64: 400, 128>}, {transform_indices = @transform_2, window_bounds = array<i64: 1600, 128>}, {pipeline_mode = #tpu.pipeline_mode<synchronous>, transform_indices = @transform_3, window_bounds = array<i64: 32, 128>}, {pipeline_mode = #tpu.pipeline_mode<synchronous>, transform_indices = @transform_4, window_bounds = array<i64: 128, 32>}, {pipeline_mode = #tpu.pipeline_mode<synchronous>, transform_indices = @transform_5, window_bounds = array<i64: 1, 32>}, {pipeline_mode = #tpu.pipeline_mode<synchronous>, transform_indices = @transform_6, window_bounds = array<i64: 1, 32>}, {pipeline_mode = #tpu.pipeline_mode<synchronous>, transform_indices = @transform_7, window_bounds = array<i64: 32, 128>}, {pipeline_mode = #tpu.pipeline_mode<synchronous>, transform_indices = @transform_8, window_bounds = array<i64: 1, 128>}, {pipeline_mode = #tpu.pipeline_mode<synchronous>, transform_indices = @transform_9, window_bounds = array<i64: 1, 128>}, {pipeline_mode = #tpu.pipeline_mode<synchronous>, transform_indices = @transform_10, window_bounds = array<i64: 1, 128>}, {pipeline_mode = #tpu.pipeline_mode<synchronous>, transform_indices = @transform_11, window_bounds = array<i64: 128, 128>}, {pipeline_mode = #tpu.pipeline_mode<synchronous>, transform_indices = @transform_12, window_bounds = array<i64: 1, 128>}, {pipeline_mode = #tpu.pipeline_mode<synchronous>, transform_indices = @transform_13, window_bounds = array<i64: 32, 128>}, {pipeline_mode = #tpu.pipeline_mode<synchronous>, transform_indices = @transform_14, window_bounds = array<i64: 128, 128>}, {transform_indices = @transform_15, window_bounds = array<i64: 400, 128>}]} {
    %get3A = arith.constant 0 : index
    %get3A_0 = arith.constant 0 : index
    %get3A_1 = vector.load %arg2[%get3A, %get3A_0] : memref<400x128xf32, #tpu.memory_space<vmem>>, vector<400x128xf32>
    %broadcast_in_dim3A = vector.shape_cast %get3A_1 : vector<400x128xf32> to vector<400x1x128xf32>
    %broadcast_in_dim3A_2 = vector.shape_cast %broadcast_in_dim3A : vector<400x1x128xf32> to vector<400x1x128xf32>
    %broadcast_in_dim3A_3 = vector.broadcast %broadcast_in_dim3A_2 : vector<400x1x128xf32> to vector<400x32x128xf32>
    %get3A_4 = arith.constant 0 : index
    %get3A_5 = arith.constant 0 : index
    %get3A_6 = vector.load %arg4[%get3A_4, %get3A_5] : memref<32x128xf32, #tpu.memory_space<vmem>>, vector<32x128xf32>
    %broadcast_in_dim3A_7 = vector.shape_cast %get3A_6 : vector<32x128xf32> to vector<1x32x128xf32>
    %mul3A = vector.broadcast %broadcast_in_dim3A_7 : vector<1x32x128xf32> to vector<400x32x128xf32>
    %mul3A_8 = arith.mulf %broadcast_in_dim3A_3, %mul3A : vector<400x32x128xf32>
    %reshape3A = vector.shape_cast %mul3A_8 : vector<400x32x128xf32> to vector<12800x128xf32>
    %get3A_9 = arith.constant 0 : index
    %get3A_10 = arith.constant 0 : index
    %get3A_11 = vector.load %arg5[%get3A_9, %get3A_10] : memref<128x32xf32, #tpu.memory_space<vmem>>, vector<128x32xf32>
    %dot_general3A = arith.constant dense<0.000000e+00> : vector<12800x32xf32>
    %dot_general3A_12 = tpu.matmul %reshape3A, %get3A_11, %dot_general3A {dimension_numbers = #tpu.dot_dimension_numbers<[1], [0], [0], [1], [0, 0, 1, 1], [], []>, transpose_lhs_hint = false} : vector<12800x128xf32>, vector<128x32xf32>, vector<12800x32xf32> -> vector<12800x32xf32>
    %get3A_13 = arith.constant 0 : index
    %get3A_14 = arith.constant 0 : index
    %get3A_15 = vector.load %arg6[%get3A_13, %get3A_14] : memref<1x32xf32, #tpu.memory_space<vmem>>, vector<1x32xf32>
    %mul3A_16 = vector.broadcast %get3A_15 : vector<1x32xf32> to vector<12800x32xf32>
    %mul3A_17 = arith.mulf %dot_general3A_12, %mul3A_16 : vector<12800x32xf32>
    %get3A_18 = arith.constant 0 : index
    %get3A_19 = arith.constant 0 : index
    %get3A_20 = vector.load %arg7[%get3A_18, %get3A_19] : memref<1x32xf32, #tpu.memory_space<vmem>>, vector<1x32xf32>
    %add3A = vector.broadcast %get3A_20 : vector<1x32xf32> to vector<12800x32xf32>
    %add3A_21 = arith.addf %mul3A_17, %add3A : vector<12800x32xf32>
    %ge3A = arith.constant 0.000000e+00 : f32
    %ge3A_22 = vector.broadcast %ge3A : f32 to vector<12800x32xf32>
    %ge3A_23 = arith.cmpf oge, %add3A_21, %ge3A_22 : vector<12800x32xf32>
    %mul3A_24 = arith.constant 1.000000e-01 : f32
    %mul3A_25 = vector.broadcast %mul3A_24 : f32 to vector<12800x32xf32>
    %mul3A_26 = arith.mulf %mul3A_25, %add3A_21 : vector<12800x32xf32>
    %select_n3A = arith.select %ge3A_23, %add3A_21, %mul3A_26 : vector<12800x32xi1>, vector<12800x32xf32>
    %get3A_27 = arith.constant 0 : index
    %get3A_28 = arith.constant 0 : index
    %get3A_29 = vector.load %arg8[%get3A_27, %get3A_28] : memref<32x128xf32, #tpu.memory_space<vmem>>, vector<32x128xf32>
    %dot_general3A_30 = arith.constant dense<0.000000e+00> : vector<12800x128xf32>
    %dot_general3A_31 = tpu.matmul %select_n3A, %get3A_29, %dot_general3A_30 {dimension_numbers = #tpu.dot_dimension_numbers<[1], [0], [0], [1], [0, 0, 1, 1], [], []>, transpose_lhs_hint = false} : vector<12800x32xf32>, vector<32x128xf32>, vector<12800x128xf32> -> vector<12800x128xf32>
    %get3A_32 = arith.constant 0 : index
    %get3A_33 = arith.constant 0 : index
    %get3A_34 = vector.load %arg9[%get3A_32, %get3A_33] : memref<1x128xf32, #tpu.memory_space<vmem>>, vector<1x128xf32>
    %add3A_35 = vector.broadcast %get3A_34 : vector<1x128xf32> to vector<12800x128xf32>
    %add3A_36 = arith.addf %dot_general3A_31, %add3A_35 : vector<12800x128xf32>
    %get3A_37 = arith.constant 0 : index
    %get3A_38 = arith.constant 0 : index
    %get3A_39 = vector.load %arg1[%get3A_37, %get3A_38] : memref<12800x128xf32, #tpu.memory_space<vmem>>, vector<12800x128xf32>
    %bitcast_convert_type3A = tpu.bitcast %get3A_39 : vector<12800x128xf32> -> vector<12800x128xi32>
    %and3A = arith.constant -65536 : i32
    %and3A_40 = vector.broadcast %and3A : i32 to vector<12800x128xi32>
    %and3A_41 = arith.andi %bitcast_convert_type3A, %and3A_40 : vector<12800x128xi32>
    %bitcast_convert_type3A_42 = tpu.bitcast %and3A_41 : vector<12800x128xi32> -> vector<12800x128xf32>
    %sub3A = arith.subf %bitcast_convert_type3A_42, %add3A_36 : vector<12800x128xf32>
    %get3A_43 = arith.constant 0 : index
    %get3A_44 = arith.constant 0 : index
    %get3A_45 = vector.load %arg3[%get3A_43, %get3A_44] : memref<1600x128xf32, #tpu.memory_space<vmem>>, vector<1600x128xf32>
    %get3A_46 = arith.constant 0 : index
    %get3A_47 = arith.constant 0 : index
    %get3A_48 = vector.load %arg10[%get3A_46, %get3A_47] : memref<1x128xf32, #tpu.memory_space<vmem>>, vector<1x128xf32>
    %mul3A_49 = vector.broadcast %get3A_48 : vector<1x128xf32> to vector<1600x128xf32>
    %mul3A_50 = arith.mulf %get3A_45, %mul3A_49 : vector<1600x128xf32>
    %get3A_51 = arith.constant 0 : index
    %get3A_52 = arith.constant 0 : index
    %get3A_53 = vector.load %arg11[%get3A_51, %get3A_52] : memref<1x128xf32, #tpu.memory_space<vmem>>, vector<1x128xf32>
    %add3A_54 = vector.broadcast %get3A_53 : vector<1x128xf32> to vector<1600x128xf32>
    %add3A_55 = arith.addf %mul3A_50, %add3A_54 : vector<1600x128xf32>
    %ge3A_56 = arith.constant 0.000000e+00 : f32
    %ge3A_57 = vector.broadcast %ge3A_56 : f32 to vector<1600x128xf32>
    %ge3A_58 = arith.cmpf oge, %add3A_55, %ge3A_57 : vector<1600x128xf32>
    %mul3A_59 = arith.constant 1.000000e-01 : f32
    %mul3A_60 = vector.broadcast %mul3A_59 : f32 to vector<1600x128xf32>
    %mul3A_61 = arith.mulf %mul3A_60, %add3A_55 : vector<1600x128xf32>
    %select_n3A_62 = arith.select %ge3A_58, %add3A_55, %mul3A_61 : vector<1600x128xi1>, vector<1600x128xf32>
    %get3A_63 = arith.constant 0 : index
    %get3A_64 = arith.constant 0 : index
    %get3A_65 = vector.load %arg12[%get3A_63, %get3A_64] : memref<128x128xf32, #tpu.memory_space<vmem>>, vector<128x128xf32>
    %dot_general3A_66 = arith.constant dense<0.000000e+00> : vector<1600x128xf32>
    %dot_general3A_67 = tpu.matmul %select_n3A_62, %get3A_65, %dot_general3A_66 {dimension_numbers = #tpu.dot_dimension_numbers<[1], [0], [0], [1], [0, 0, 1, 1], [], []>, transpose_lhs_hint = false} : vector<1600x128xf32>, vector<128x128xf32>, vector<1600x128xf32> -> vector<1600x128xf32>
    %get3A_68 = arith.constant 0 : index
    %get3A_69 = arith.constant 0 : index
    %get3A_70 = vector.load %arg13[%get3A_68, %get3A_69] : memref<1x128xf32, #tpu.memory_space<vmem>>, vector<1x128xf32>
    %add3A_71 = vector.broadcast %get3A_70 : vector<1x128xf32> to vector<1600x128xf32>
    %add3A_72 = arith.addf %dot_general3A_67, %add3A_71 : vector<1600x128xf32>
    %reshape3A_73 = vector.shape_cast %add3A_72 : vector<1600x128xf32> to vector<400x4x128xf32>
    %reduce_max3A = arith.constant dense<0xFF800000> : vector<400x128xf32>
    %reduce_max3A_74 = vector.multi_reduction <maximumf>, %reshape3A_73, %reduce_max3A [1] : vector<400x4x128xf32> to vector<400x128xf32>
    %roll3A = arith.constant 16 : i32
    %roll3A_75 = tpu.dynamic_rotate %reduce_max3A_74 by %roll3A dim 1 : vector<400x128xf32>, i32 -> vector<400x128xf32>
    %max3A = arith.maximumf %reduce_max3A_74, %roll3A_75 : vector<400x128xf32>
    %roll3A_76 = arith.constant 32 : i32
    %roll3A_77 = tpu.dynamic_rotate %max3A by %roll3A_76 dim 1 : vector<400x128xf32>, i32 -> vector<400x128xf32>
    %max3A_78 = arith.maximumf %max3A, %roll3A_77 : vector<400x128xf32>
    %roll3A_79 = arith.constant 64 : i32
    %roll3A_80 = tpu.dynamic_rotate %max3A_78 by %roll3A_79 dim 1 : vector<400x128xf32>, i32 -> vector<400x128xf32>
    %max3A_81 = arith.maximumf %max3A_78, %roll3A_80 : vector<400x128xf32>
    %broadcast_in_dim3A_82 = vector.shape_cast %max3A_81 : vector<400x128xf32> to vector<400x1x128xf32>
    %broadcast_in_dim3A_83 = vector.shape_cast %broadcast_in_dim3A_82 : vector<400x1x128xf32> to vector<400x1x128xf32>
    %broadcast_in_dim3A_84 = vector.broadcast %broadcast_in_dim3A_83 : vector<400x1x128xf32> to vector<400x4x128xf32>
    %reshape3A_85 = vector.shape_cast %broadcast_in_dim3A_84 : vector<400x4x128xf32> to vector<1600x128xf32>
    %sub3A_86 = arith.subf %add3A_72, %reshape3A_85 : vector<1600x128xf32>
    %exp3A = math.exp %sub3A_86 : vector<1600x128xf32>
    %reshape3A_87 = vector.shape_cast %exp3A : vector<1600x128xf32> to vector<400x4x128xf32>
    %reduce_sum3A = arith.constant dense<0.000000e+00> : vector<400x128xf32>
    %reduce_sum3A_88 = vector.multi_reduction <add>, %reshape3A_87, %reduce_sum3A [1] : vector<400x4x128xf32> to vector<400x128xf32>
    %roll3A_89 = arith.constant 16 : i32
    %roll3A_90 = tpu.dynamic_rotate %reduce_sum3A_88 by %roll3A_89 dim 1 : vector<400x128xf32>, i32 -> vector<400x128xf32>
    %add3A_91 = arith.addf %reduce_sum3A_88, %roll3A_90 : vector<400x128xf32>
    %roll3A_92 = arith.constant 32 : i32
    %roll3A_93 = tpu.dynamic_rotate %add3A_91 by %roll3A_92 dim 1 : vector<400x128xf32>, i32 -> vector<400x128xf32>
    %add3A_94 = arith.addf %add3A_91, %roll3A_93 : vector<400x128xf32>
    %roll3A_95 = arith.constant 64 : i32
    %roll3A_96 = tpu.dynamic_rotate %add3A_94 by %roll3A_95 dim 1 : vector<400x128xf32>, i32 -> vector<400x128xf32>
    %add3A_97 = arith.addf %add3A_94, %roll3A_96 : vector<400x128xf32>
    %broadcast_in_dim3A_98 = vector.shape_cast %exp3A : vector<1600x128xf32> to vector<1600x1x128xf32>
    %broadcast_in_dim3A_99 = vector.shape_cast %broadcast_in_dim3A_98 : vector<1600x1x128xf32> to vector<1600x1x128xf32>
    %broadcast_in_dim3A_100 = vector.broadcast %broadcast_in_dim3A_99 : vector<1600x1x128xf32> to vector<1600x8x128xf32>
    %reshape3A_101 = vector.shape_cast %broadcast_in_dim3A_100 : vector<1600x8x128xf32> to vector<400x32x128xf32>
    %get3A_102 = arith.constant 0 : index
    %get3A_103 = arith.constant 0 : index
    %get3A_104 = vector.load %arg14[%get3A_102, %get3A_103] : memref<32x128xf32, #tpu.memory_space<vmem>>, vector<32x128xf32>
    %broadcast_in_dim3A_105 = vector.shape_cast %get3A_104 : vector<32x128xf32> to vector<1x32x128xf32>
    %mul3A_106 = vector.broadcast %broadcast_in_dim3A_105 : vector<1x32x128xf32> to vector<400x32x128xf32>
    %mul3A_107 = arith.mulf %reshape3A_101, %mul3A_106 : vector<400x32x128xf32>
    %reshape3A_108 = vector.shape_cast %mul3A_107 : vector<400x32x128xf32> to vector<12800x128xf32>
    %get3A_109 = arith.constant 0 : index
    %get3A_110 = arith.constant 0 : index
    %get3A_111 = vector.load %arg15[%get3A_109, %get3A_110] : memref<128x128xf32, #tpu.memory_space<vmem>>, vector<128x128xf32>
    %dot_general3A_112 = arith.constant dense<0.000000e+00> : vector<12800x128xf32>
    %dot_general3A_113 = tpu.matmul %reshape3A_108, %get3A_111, %dot_general3A_112 {dimension_numbers = #tpu.dot_dimension_numbers<[1], [0], [0], [1], [0, 0, 1, 1], [], []>, transpose_lhs_hint = false} : vector<12800x128xf32>, vector<128x128xf32>, vector<12800x128xf32> -> vector<12800x128xf32>
    %mul3A_114 = arith.mulf %sub3A, %dot_general3A_113 : vector<12800x128xf32>
    %reshape3A_115 = vector.shape_cast %mul3A_114 : vector<12800x128xf32> to vector<400x32x128xf32>
    %reduce_sum3A_116 = arith.constant dense<0.000000e+00> : vector<400x128xf32>
    %reduce_sum3A_117 = vector.multi_reduction <add>, %reshape3A_115, %reduce_sum3A_116 [1] : vector<400x32x128xf32> to vector<400x128xf32>
    %div3A = arith.constant 1.000000e+00 : f32
    %div3A_118 = vector.broadcast %div3A : f32 to vector<400x128xf32>
    %div3A_119 = arith.divf %div3A_118, %add3A_97 : vector<400x128xf32>
    %mul3A_120 = arith.mulf %reduce_sum3A_117, %div3A_119 : vector<400x128xf32>
    %swap3A = arith.constant 0 : index
    %swap3A_121 = arith.constant 0 : index
    %swap3A_122 = vector.load %arg16[%swap3A, %swap3A_121] : memref<400x128xf32, #tpu.memory_space<vmem>>, vector<400x128xf32>
    tpu.vector_store %arg16[%swap3A, %swap3A_121], %mul3A_120 {strides = array<i32>} : memref<400x128xf32, #tpu.memory_space<vmem>>, vector<400x128xf32>,
    return
  }
  func.func @transform_0(%arg0: i32) -> (i32, i32) {
    %c0_i32 = arith.constant 0 : i32
    %c0_i32_0 = arith.constant 0 : i32
    return %arg0, %c0_i32 : i32, i32
  }
  func.func @transform_1(%arg0: i32) -> (i32, i32) {
    %c0_i32 = arith.constant 0 : i32
    %c0_i32_0 = arith.constant 0 : i32
    return %arg0, %c0_i32 : i32, i32
  }
  func.func @transform_2(%arg0: i32) -> (i32, i32) {
    %c0_i32 = arith.constant 0 : i32
    %c0_i32_0 = arith.constant 0 : i32
    return %arg0, %c0_i32 : i32, i32
  }
  func.func @transform_3(%arg0: i32) -> (i32, i32) {
    %c0_i32 = arith.constant 0 : i32
    %c0_i32_0 = arith.constant 0 : i32
    %c0_i32_1 = arith.constant 0 : i32
    return %c0_i32, %c0_i32_0 : i32, i32
  }
  func.func @transform_4(%arg0: i32) -> (i32, i32) {
    %c0_i32 = arith.constant 0 : i32
    %c0_i32_0 = arith.constant 0 : i32
    %c0_i32_1 = arith.constant 0 : i32
    return %c0_i32, %c0_i32_0 : i32, i32
  }
  func.func @transform_5(%arg0: i32) -> (i32, i32) {
    %c0_i32 = arith.constant 0 : i32
    %c0_i32_0 = arith.constant 0 : i32
    %c0_i32_1 = arith.constant 0 : i32
    return %c0_i32, %c0_i32_0 : i32, i32
  }
  func.func @transform_6(%arg0: i32) -> (i32, i32) {
    %c0_i32 = arith.constant 0 : i32
    %c0_i32_0 = arith.constant 0 : i32
    %c0_i32_1 = arith.constant 0 : i32
    return %c0_i32, %c0_i32_0 : i32, i32
  }
  func.func @transform_7(%arg0: i32) -> (i32, i32) {
    %c0_i32 = arith.constant 0 : i32
    %c0_i32_0 = arith.constant 0 : i32
    %c0_i32_1 = arith.constant 0 : i32
    return %c0_i32, %c0_i32_0 : i32, i32
  }
  func.func @transform_8(%arg0: i32) -> (i32, i32) {
    %c0_i32 = arith.constant 0 : i32
    %c0_i32_0 = arith.constant 0 : i32
    %c0_i32_1 = arith.constant 0 : i32
    return %c0_i32, %c0_i32_0 : i32, i32
  }
  func.func @transform_9(%arg0: i32) -> (i32, i32) {
    %c0_i32 = arith.constant 0 : i32
    %c0_i32_0 = arith.constant 0 : i32
    %c0_i32_1 = arith.constant 0 : i32
    return %c0_i32, %c0_i32_0 : i32, i32
  }
  func.func @transform_10(%arg0: i32) -> (i32, i32) {
    %c0_i32 = arith.constant 0 : i32
    %c0_i32_0 = arith.constant 0 : i32
    %c0_i32_1 = arith.constant 0 : i32
    return %c0_i32, %c0_i32_0 : i32, i32
  }
  func.func @transform_11(%arg0: i32) -> (i32, i32) {
    %c0_i32 = arith.constant 0 : i32
    %c0_i32_0 = arith.constant 0 : i32
    %c0_i32_1 = arith.constant 0 : i32
    return %c0_i32, %c0_i32_0 : i32, i32
  }
  func.func @transform_12(%arg0: i32) -> (i32, i32) {
    %c0_i32 = arith.constant 0 : i32
    %c0_i32_0 = arith.constant 0 : i32
    %c0_i32_1 = arith.constant 0 : i32
    return %c0_i32, %c0_i32_0 : i32, i32
  }
  func.func @transform_13(%arg0: i32) -> (i32, i32) {
    %c0_i32 = arith.constant 0 : i32
    %c0_i32_0 = arith.constant 0 : i32
    %c0_i32_1 = arith.constant 0 : i32
    return %c0_i32, %c0_i32_0 : i32, i32
  }
  func.func @transform_14(%arg0: i32) -> (i32, i32) {
    %c0_i32 = arith.constant 0 : i32
    %c0_i32_0 = arith.constant 0 : i32
    %c0_i32_1 = arith.constant 0 : i32
    return %c0_i32, %c0_i32_0 : i32, i32
  }
  func.func @transform_15(%arg0: i32) -> (i32, i32) {
    %c0_i32 = arith.constant 0 : i32
    %c0_i32_0 = arith.constant 0 : i32
    return %arg0, %c0_i32 : i32, i32
  }
}

</mosaic_0001>

<sc_bundles>
// kernel: kernel.8.cloned.1.call-start
scs
__scs_entry_jumppad:
0x0: {  	(pc) =	sbr.rel $0x88, $3  }
0x1: {  	(tag) =	ssettag $0x0;
	lr =	simm.s32 $0x1  }
0x2: {  	[smem:$0x3F89] =	sst lr;
	_ =	strace $0xD0000000  }
0x3: {  	_ = 	snop  }
0x4: {  	_ = 	snop  }
0x5: {  	_ = 	snop  }
0x6: {  	_ = 	snop  }
0x7: {  	_ = 	snop  }
__scs_overlays_trampoline_lowered:
0x8: {  	[smem:$0x3F98] =	sst s0  }
0x9: {  	[smem:$0x3F99] =	sst s1  }
0xa: {  	[smem:$0x3F9A] =	sst s2  }
0xb: {  	[smem:$0x3F9B] =	sst s3  }
0xc: {  	[smem:$0x3F9C] =	sst s4  }
0xd: {  	[smem:$0x3F9D] =	sst s5  }
0xe: {  	[smem:$0x3F9E] =	sst s6  }
0xf: {  	[smem:$0x3F9F] =	sst s7  }
0x10: {  	[smem:$0x3FA0] =	sst s8  }
0x11: {  	[smem:$0x3FA1] =	sst s9;
	s0 =	simm.s32 @!p0 $0x0  }
0x12: {  	s1 =	sld [smem:$0x3F87];
	s0 =	simm.s32 @p0 $0x1  }
0x13: {  	[smem:$0x3FA2] =	sst s0;
	s0 =	simm.s32 @!p1 $0x0  }
0x14: {  	s2 =	sld [smem:$0x3F86];
	s0 =	simm.s32 @p1 $0x1  }
0x15: {  	[smem:$0x3FA3] =	sst s0;
	s0 =	simm.s32 @!p2 $0x0  }
0x16: {  	s3 =	sld [smem:$0x3FDB];
	s0 =	simm.s32 @p2 $0x1  }
0x17: {  	s4 =	simm.s32 $0x1BF5;
	[smem:$0x3FA5] =	sst s0  }
0x18: {  	s0 =	sld [smem:$0x3F88];
	_ =	swait.ge [sflag:s4], $0x0  }
0x19: {  	s7 =	sld [smem:$0x3F89]  }
0x1a: {  	s8 =	sadd.s32 $0xFFFFE003, lr  }
0x1b: {  	s9 =	sadd.s32 $0xFFFFFEF7, lr;
	s5 =	simm.s32 $0xFFFFFFFF;
	p2 =	slt.u32 s8, $0xFFFFF086  }
0x1c: {  	p1 =	slt.u32 s9, $0xF7A;
	s5 =	simm.s32 @!p2 $0x0  }
0x1d: {  	s5 =	simm.s32 @p1 $0x1;
	p0 =	seq.s32 s7, s2  }
0x1e: {  	s7 =	smul.u32 @!p0 $0xF7A, s2;
	p2 =	seq.s32 @!p0 s5, $0x0  }
0x1f: {  	s9 =	smul.u32 $0xF7A, s1;
	s8 =	simm.s32 @!p0 $0x1BF5;
	p2 =	por !p2, p0  }
0x20: {  	[sflag:s8] =	ssyncset.s32 @!p0 $0xFFFFF086;
	s6 =	sadd.s32 @!p0 s3, s7;
	s7 =	simm.s32 @!p0 $0x108  }
0x21: {  	s3 =	sadd.s32 s3, s9;
	s6 =	sadd.s32 @!p0 $0x88, s6;
	s7 =	simm.s32 @p2 $0x1082  }
0x22: {  	[simem:s7], [sflag:s8] =	dma.local @!p0 [hbm:s6], $0xF7A  }
0x23: {  	s9 =	sor.u32 $0xD0000000, s2;
	s6 =	simm.s32 $0x108;
	_ =	swait.ge @!p0 [sflag:s8], $0x0  }
0x24: {  	s3 =	sadd.s32 $0x88, s3;
	s6 =	simm.s32 @!p1 $0x1082;
	[sflag:s4] =	ssyncset.s32 $0xFFFFF086  }
0x25: {  	[simem:s6], [sflag:s4] =	dma.local [hbm:s3], $0xF7A  }
0x26: {  	[smem:$0x3F89] =	sst s1;
	(tag) =	ssettag s2;
	_ =	strace s9  }
0x27: {  	s1 =	sld [smem:$0x3F99]  }
0x28: {  	s2 =	sld [smem:$0x3F9A]  }
0x29: {  	s4 =	sld [smem:$0x3F9C]  }
0x2a: {  	p0 =	seq.s32 s5, $0x0;
	s5 =	sld [smem:$0x3F9D]  }
0x2b: {  	s6 =	sld [smem:$0x3F9E]  }
0x2c: {  	s7 =	sld [smem:$0x3F9F]  }
0x2d: {  	s3 =	simm.s32 $0x108;
	s8 =	sld [smem:$0x3FA0]  }
0x2e: {  	s3 =	simm.s32 @!p0 $0x1082;
	s9 =	sld [smem:$0x3FA1]  }
0x2f: {  	lr =	sadd.s32 s0, s3;
	s0 =	sld [smem:$0x3F98]  }
0x30: {  	s3 =	sld [smem:$0x3F9B]  }
0x31: {  	[smem:$0x3FA4] =	sst s10  }
0x32: {  	s10 =	sld [smem:$0x3FA2];
	_ =	sdelay $0x3  }
0x33: {  	p0 =	seq.s32 s10, $0x1;
	s10 =	sld [smem:$0x3FA4];
	_ =	sdelay $0x3  }
0x34: {  	[smem:$0x3FA4] =	sst s10  }
0x35: {  	s10 =	sld [smem:$0x3FA3];
	_ =	sdelay $0x3  }
0x36: {  	p1 =	seq.s32 s10, $0x1;
	s10 =	sld [smem:$0x3FA4];
	_ =	sdelay $0x3  }
0x37: {  	[smem:$0x3FA4] =	sst s10  }
0x38: {  	s10 =	sld [smem:$0x3FA5]  }
0x39: {  	_ = 	snop;
	(pc) =	sbr.ind lr, $3  }
0x3a: {  	_ = 	snop  }
0x3b: {  	_ = 	snop  }
0x3c: {  	p2 =	seq.s32 s10, $0x1;
	s10 =	sld [smem:$0x3FA4]  }
0x3d: {  	_ =	shalt  }
0x3e: {  	_ =	shalt  }
0x3f: {  	_ =	shalt  }
0x40: {  	_ =	shalt  }
0x41: {  	_ =	shalt  }
0x42: {  	_ =	shalt  }
0x43: {  	_ =	shalt  }
0x44: {  	_ =	shalt  }
0x45: {  	_ =	shalt  }
0x46: {  	_ =	shalt  }
0x47: {  	_ =	shalt  }
0x48: {  	_ =	shalt  }
0x49: {  	_ =	shalt  }
0x4a: {  	_ =	shalt  }
0x4b: {  	_ =	shalt  }
0x4c: {  	_ =	shalt  }
0x4d: {  	_ =	shalt  }
0x4e: {  	_ =	shalt  }
0x4f: {  	_ =	shalt  }
0x50: {  	_ =	shalt  }
0x51: {  	_ =	shalt  }
0x52: {  	_ =	shalt  }
0x53: {  	_ =	shalt  }
0x54: {  	_ =	shalt  }
0x55: {  	_ =	shalt  }
0x56: {  	_ =	shalt  }
0x57: {  	_ =	shalt  }
0x58: {  	_ =	shalt  }
0x59: {  	_ =	shalt  }
0x5a: {  	_ =	shalt  }
0x5b: {  	_ =	shalt  }
0x5c: {  	_ =	shalt  }
0x5d: {  	_ =	shalt  }
0x5e: {  	_ =	shalt  }
0x5f: {  	_ =	shalt  }
0x60: {  	_ =	shalt  }
0x61: {  	_ =	shalt  }
0x62: {  	_ =	shalt  }
0x63: {  	_ =	shalt  }
0x64: {  	_ =	shalt  }
0x65: {  	_ =	shalt  }
0x66: {  	_ =	shalt  }
0x67: {  	_ =	shalt  }
0x68: {  	_ =	shalt  }
0x69: {  	_ =	shalt  }
0x6a: {  	_ =	shalt  }
0x6b: {  	_ =	shalt  }
0x6c: {  	_ =	shalt  }
0x6d: {  	_ =	shalt  }
0x6e: {  	_ =	shalt  }
0x6f: {  	_ =	shalt  }
0x70: {  	_ =	shalt  }
0x71: {  	_ =	shalt  }
0x72: {  	_ =	shalt  }
0x73: {  	_ =	shalt  }
0x74: {  	_ =	shalt  }
0x75: {  	_ =	shalt  }
0x76: {  	_ =	shalt  }
0x77: {  	_ =	shalt  }
0x78: {  	_ =	shalt  }
0x79: {  	_ =	shalt  }
0x7a: {  	_ =	shalt  }
0x7b: {  	_ =	shalt  }
0x7c: {  	_ =	shalt  }
0x7d: {  	_ =	shalt  }
0x7e: {  	_ =	shalt  }
0x7f: {  	_ =	shalt  }
0x80: {  	_ =	shalt  }
0x81: {  	_ =	shalt  }
0x82: {  	_ =	shalt  }
0x83: {  	_ =	shalt  }
0x84: {  	_ =	shalt  }
0x85: {  	_ =	shalt  }
0x86: {  	_ =	shalt  }
0x87: {  	_ =	shalt  }
.Lfunc_end0:
.L_simem_size_0:
called_computation_lowered:
.L_overlay_start_0:
0x88: {  	s2 =	sld [smem:$0x3FD9]  }
0x89: {  	s3 =	sld [smem:$0x3FFE];
	_ =	sdelay $0x1  }
0x8a: {  	s1 =	srdreg.scid  }
0x8b: {  	s0 =	sand.u32 $0x1, s1  }
0x8c: {  	s17 =	sshll.u32 s0, $0xA;
	s2 =	sadd.s32 s3, s2  }
0x8d: {  	s2 =	sadd.s32 s2, s17  }
0x8e: {  	[smem:$0x3FB0] =	sst s2  }
0x8f: {  	_ = 	snop  }
0x90: {  	s2 =	sld [smem:$0x3FD0];
	(tm) =	ssettm $0x1  }
0x91: {  	s18 =	sld [smem:$0x3FFB];
	_ =	sdelay $0x3  }
0x92: {  	_ =	strace s18  }
0x93: {  	s3 =	sld [smem:$0x3FFC];
	_ =	sdelay $0x3  }
0x94: {  	_ =	strace s3  }
0x95: {  	s3 =	sld [smem:$0x3FFD];
	_ =	sdelay $0x3  }
0x96: {  	_ =	strace s3  }
0x97: {  	_ =	strace $0x8FFFFFFF  }
0x98: {  	s19 =	sld [smem:$0x3FDB];
	_ =	sdelay $0x1  }
0x99: {  	s4 =	simm.s32 $_scs_section_size  }
0x9a: {  	s5 =	simm.s32 $_size__tile_overlayer_lowered;
	s6 =	simm.s32 $_tile_overlayer_lowered  }
0x9b: {  	s22 =	simm.s32 $0x1BFF;
	s21 =	sshll.u32 s6, $0x1;
	s3 =	sadd.s32 s4, s19  }
0x9c: {  	s7 =	simm.s32 $0x0;
	s20 =	sshll.u32 s5, $0x1;
	s5 =	sadd.s32 s21, s3  }
0x9d: {  	[timem:s7], [sflag:s22] =	dma.local [hbm:s5], s20  }
0x9e: {  	_ =	swait.ge [sflag:s22], s20  }
0x9f: {  	s4 =	ssub.s32 $0x0, s20;
	[sflag:s22] =	ssyncset.done $0x0  }
0xa0: {  	[sflag:s22] =	ssyncadd.s32 s4;
	_ =	sdelay $0x1  }
0xa1: {  	s23 =	simm.s32 $0x1B8B  }
0xa2: {  	_ =	swait.ge [sflag:s23], $0x1  }
0xa3: {  	[sflag:s23] =	ssyncset.done $0x0  }
0xa4: {  	s25 =	simm.s32 $0x1B8E;
	s24 =	sld [smem:$0x3FFE];
	[sflag:s23] =	ssyncadd.s32 $0xFFFFFFFF  }
0xa5: {  	s26 =	simm.s32 $execute0_lowered;
	[smem:$0x3FD2] =	sst s25  }
0xa6: {  	s5 =	sshll.u32 s26, $0x1;
	_ =	strace $0x80000046;
	[dreg:$0x1] =	wrdreg $0xFFFFFFFF  }
0xa7: {  	s28 =	simm.s32 $_size_execute0_lowered;
	s3 =	sadd.s32 s3, s5;
	[dreg:$0x0] =	wrdreg $0x0  }
0xa8: {  	s5 =	sshll.u32 s28, $0x1;
	[dreg:$0x2] =	wrdreg s3  }
0xa9: {  	[dreg:$0x3] =	wrdreg s5  }
0xaa: {  	[dreg:$0x4] =	wrdreg $0xC0  }
0xab: {  	_ =	task [dreg:s7], $0x5FFFF  }
0xac: {  	[dreg:$0x1] =	wrdreg $0xFFFFFFFF  }
0xad: {  	[dreg:$0x0] =	wrdreg $0x60  }
0xae: {  	[dreg:$0x2] =	wrdreg s24  }
0xaf: {  	[dreg:$0x3] =	wrdreg s2  }
0xb0: {  	[dreg:$0x4] =	wrdreg $0x9  }
0xb1: {  	_ =	task.clear_ibuf [dreg:s7], $0x5FFFF;
	_ =	strace $0x90000046  }
0xb2: {  	s29 =	simm.s32 $0x9;
	_ =	strace $0x80000048  }
0xb3: {  	_ =	swait.ge [sflag:s29], $0x1  }
0xb4: {  	[sflag:s29] =	ssyncadd.s32 $0xFFFFFFFF  }
0xb5: {  	_ =	strace $0x90000048  }
0xb6: {  	_ =	sfence  }
0xb7: {  	s30 =	sld [smem:$0x0];
	_ =	sdelay $0x2  }
0xb8: {  	s31 =	sshll.u32 s1, $0xD;
	s1 =	sshrl.u32 s1, $0x2  }
0xb9: {  	s3 =	sand.u32 $0x4000, s31;
	s1 =	sadd.s32 s1, s30  }
0xba: {  	s0 =	sor.u32 s3, s0;
	s1 =	sshll.u32 s1, $0x11  }
0xbb: {  	s0 =	sor.u32 s1, s0  }
0xbc: {  	s0 =	sadd.s32 $0x8F2B, s0  }
0xbd: {  	[sflag:s0] =	ssyncadd.remote.s32 $0x1  }
0xbe: {  	_ =	sfence.sel $0xFFFF  }
0xbf: {  	[dreg:$0x0] =	wrdreg $0xFFFFFFFF;
	(pc) =	sbr.abs _section_cstart, $3  }
0xc0: {  	[dreg:$0x1] =	wrdreg $0xFFFFFFFF  }
0xc1: {  	_ =	task.clear_ibuf [dreg:s7], $0x2FFFF;
	_ =	strace $0x9FFFFFFF  }
0xc2: {  	(tm) =	ssettm $0x7FFFFFFF  }
0xc3: {  	_ =	shalt  }
tec
execute0_lowered:
.L_overlay_start_1:
0x0: {  	(tag) =	ssettag $0x1  }
0x1: {  	s1 =	srdreg.scid;
	s0 =	rddreg [dreg:$0x0]  }
0x2: {  	s20 =	stileid.u32;
	s2 =	rddreg [dreg:$0x1]  }
0x3: {  	s3 =	simm.s32 $0x0;
	s5 =	sand.u32 $0x1, s1;
	s19 =	sshll.u32 s20, $0x1  }
0x4: {  	[smem:$0x7FF] =	sst s3;
	s12 =	sadd.s32 $0xDA00, s0;
	s6 =	sor.u32 s5, s19  }
0x5: {  	_ =	strace $0x80000047;
	[dreg:$0x3] =	wrdreg s12;
	s12 =	smul.u32 $0x4E20, s20  }
0x6: {  	s28 =	simm.s32 $0x3;
	s7 =	smul.u32 $0x2710, s6  }
0x7: {  	s29 =	simm.s32 $0x7B00;
	s30 =	simm.s32 $0xA280;
	s9 =	smul.u32 $0xA, s6  }
0x8: {  	s31 =	simm.s32 $0xCA00;
	s10 =	smul.u32 $0x500, s6;
	s11 =	sor.u32 $0x20, s6  }
0x9: {  	s8 =	sadd.s32 $0x2400, s0;
	s4 =	sadd.s32 $0xEC00, s0;
	s23 =	smul.u32 $0xA, s11  }
0xa: {  	s22 =	sadd.s32 $0xE000, s0;
	s14 =	sor.u32 $0x40, s6;
	s11 =	smul.u32 $0x500, s11  }
0xb: {  	s13 =	sadd.s32 $0x84200, s0;
	s15 =	sadd.s32 $0x5D000, s0;
	s17 =	smul.u32 $0xA, s14  }
0xc: {  	s16 =	ssub.s32 $0x2, s5;
	s6 =	sor.u32 $0x60, s6;
	s14 =	smul.u32 $0x500, s14  }
0xd: {  	[dreg:$0x4] =	wrdreg s22;
	s18 =	sshrl.u32 s16, $0x1;
	s19 =	smul.u32 $0xA, s6  }
0xe: {  	s16 =	ssub.s32 s16, s18;
	s25 =	smul.u32 $0x500, s6;
	p0 =	sgt.u32 s6, $0x7C  }
0xf: {  	s6 =	simm.s32 $0x50;
	s21 =	sshrl.u32 s7, $0x3;
	s18 =	sadd.s32 $0x26C0, s7  }
0x10: {  	s9 =	sadd.s32 s8, s9;
	s24 =	sadd.s32 s15, s10;
	s22 =	sadd.s32 $0x26D0, s7  }
0x11: {  	s10 =	simm.s32 $0x1;
	s1 =	sadd.s32 s21, s0;
	[dreg:$0x5] =	wrdreg s9  }
0x12: {  	[dreg:$0x6] =	wrdreg s24;
	s26 =	sadd.s32 s8, s23;
	s11 =	sadd.s32 s15, s11  }
0x13: {  	s17 =	sadd.s32 s8, s17;
	s8 =	sadd.s32 s8, s19;
	[dreg:$0x7] =	wrdreg s26  }
0x14: {  	s19 =	smul.u32 $0x2710, s5;
	s21 =	sadd.s32 s15, s14;
	[dreg:$0x8] =	wrdreg s11  }
0x15: {  	s9 =	sadd.s32 s15, s25;
	s23 =	sadd.s32 $0x26E0, s7;
	[dreg:$0x9] =	wrdreg s17  }
0x16: {  	s24 =	sadd.s32 $0x26F0, s7;
	s7 =	sadd.s32 $0x2700, s7;
	[dreg:$0xa] =	wrdreg s8  }
0x17: {  	s25 =	sshrl.u32 s18, $0x1;
	s5 =	smul.u32 $0x27100, s5;
	[dreg:$0xb] =	wrdreg s21  }
0x18: {  	v0 =	vmov s22;
	s14 =	sadd.s32 $0x35E00, s0;
	[dreg:$0xc] =	wrdreg s9;
	s26 =	smul.u32 $0x4E200, s20  }
0x19: {  	v1 =	vmov s18;
	v2 =	vmov s23;
	v3 =	vmov s24;
	s22 =	sadd.s32 s14, s25;
	s24 =	sadd.s32 $0xE600, s0;
	s25 =	sadd.s32 $0xD400, s0  }
0x1a: {  	v5 =	vmov s7;
	v1 =	vshrl.u32 v1, $0x5;
	v4 =	vshrl.u32 v0, $0x5;
	s7 =	simm.s32 $0x2800;
	s8 =	simm.s32 $0x5000;
	[dreg:$0xf] =	wrdreg s22  }
0x1b: {  	s9 =	simm.s32 $0x7800;
	s11 =	simm.s32 $0x7980;
	v0 =	vbroadcast v1, $0x0;
	v1 =	vbroadcast v4, $0x0;
	v4 =	vlaneseq.u32;
	[dreg:$0x12] =	wrdreg s24  }
0x1c: {  	v9 =	vimm.f32 $0.0e+00;
	s15 =	sadd.s32 s19, s12;
	s12 =	sshll.u32 s18, $0x4;
	v6 =	vshrl.u32 v2, $0x5;
	[dreg:$0x13] =	wrdreg s25;
	v2 =	vmul.u32 $0x4, v4  }
0x1d: {  	v7 =	vshrl.u32 v3, $0x5;
	v5 =	vshrl.u32 v5, $0x5;
	s24 =	sadd.s32 $0xC800, s0;
	s25 =	sadd.s32 $0x2A00, s1;
	s1 =	simm.s32 $0xF180;
	v3 =	vbroadcast v6, $0x0  }
0x1e: {  	s17 =	sadd.s32 s13, s12;
	s18 =	sadd.s32 s26, s13;
	s19 =	sadd.s32 $0x50, s15;
	v4 =	vbroadcast v7, $0x0;
	v5 =	vbroadcast v5, $0x0;
	v6 =	vor.u32 $0x1, v2  }
0x1f: {  	s20 =	sshrl.u32 s15, $0x1;
	s26 =	sadd.s32 $0xCE00, s0;
	s0 =	simm.s32 $0x11900;
	v7 =	vor.u32 $0x2, v2;
	v8 =	vor.u32 $0x3, v2;
	v10 =	vor.u32 $0x40, v2  }
0x20: {  	s12 =	simm.s32 $0x2;
	s13 =	simm.s32 $0x2780;
	[dreg:$0xd] =	wrdreg s17;
	v11 =	vor.u32 $0x41, v2;
	v12 =	vor.u32 $0x42, v2;
	v13 =	vor.u32 $0x43, v2  }
0x21: {  	s5 =	sadd.s32 s5, s18;
	s21 =	sshrl.u32 s19, $0x1;
	[dreg:$0x14] =	wrdreg s26;
	v14 =	vor.u32 $0x80, v2;
	v15 =	vor.u32 $0x81, v2;
	v16 =	vor.u32 $0x82, v2  }
0x22: {  	s26 =	smax.u32 s16, $0x1;
	[dreg:$0xe] =	wrdreg s5;
	s5 =	sadd.s32 s20, s14;
	v17 =	vor.u32 $0x83, v2;
	v18 =	vor.u32 $0xC0, v2;
	v19 =	vor.u32 $0xC1, v2  }
0x23: {  	s16 =	simm.s32 $0x0;
	s23 =	sadd.s32 s21, s14;
	v20 =	vor.u32 $0xC2, v2;
	v21 =	vor.u32 $0xC3, v2;
	v22 =	vor.u32 $0x100, v2;
	[dreg:$0x10] =	wrdreg s5  }
0x24: {  	v23 =	vor.u32 $0x101, v2;
	v24 =	vor.u32 $0x102, v2;
	v25 =	vor.u32 $0x103, v2;
	s14 =	simm.s32 $0x4;
	[dreg:$0x11] =	wrdreg s23;
	s5 =	simm.s32 $0x14080  }
.LBB2_1:
0x25: {  	[tilespmem:s3], [sflag:$0x3] =	stream.linear.gather [hbm4b:s25+s3], $0x2710, $0x38;
	[tilespmem:$0x16800] =	vst v63  }
0x26: {  	_ =	swait.ge [sflag:s28], $0x2710  }
0x27: {  	[sflag:s28] =	ssyncset.done $0x0  }
0x28: {  	s17 =	rddreg [dreg:$0x3];
	[sflag:s28] =	ssyncadd.s32 $0xFFFFD8F0  }
0x29: {  	[tilespmem:s29], [sflag:$0x3] =	stream.linear.gather [hbm4b:s17+s3], $0x2780, $0x38;
	[tilespmem:$0x16800] =	vst v63  }
0x2a: {  	_ =	swait.ge [sflag:s28], $0x2780  }
0x2b: {  	[sflag:s28] =	ssyncset.done $0x0  }
0x2c: {  	s20 =	rddreg [dreg:$0x4];
	[sflag:s28] =	ssyncadd.s32 $0xFFFFD880  }
0x2d: {  	[tilespmem:s30], [sflag:$0x3] =	stream.linear.gather [hbm4b:s20+s3], $0x2780, $0x38;
	[tilespmem:$0x16800] =	vst v63  }
0x2e: {  	_ =	swait.ge [sflag:s28], $0x2780  }
0x2f: {  	[sflag:s28] =	ssyncset.done $0x0  }
0x30: {  	s21 =	rddreg [dreg:$0x12];
	[sflag:s28] =	ssyncadd.s32 $0xFFFFD880  }
0x31: {  	[tilespmem:s31], [sflag:$0x3] =	stream.linear.gather [hbm4b:s21+s3], $0x2780, $0x38;
	[tilespmem:$0x16800] =	vst v63  }
0x32: {  	_ =	swait.ge [sflag:s28], $0x2780  }
0x33: {  	[sflag:s28] =	ssyncset.done $0x0  }
0x34: {  	s22 =	rddreg [dreg:$0x13];
	[sflag:s28] =	ssyncadd.s32 $0xFFFFD880  }
0x35: {  	[tilespmem:s1], [sflag:$0x3] =	stream.linear.gather [hbm4b:s22+s3], $0x2780, $0x38;
	[tilespmem:$0x16800] =	vst v63  }
0x36: {  	_ =	swait.ge [sflag:s28], $0x2780  }
0x37: {  	[sflag:s28] =	ssyncset.done $0x0  }
0x38: {  	s23 =	rddreg [dreg:$0x14];
	[sflag:s28] =	ssyncadd.s32 $0xFFFFD880  }
0x39: {  	[tilespmem:s0], [sflag:$0x3] =	stream.linear.gather [hbm4b:s23+s3], $0x2780, $0x38;
	[tilespmem:$0x16800] =	vst v63  }
0x3a: {  	_ =	swait.ge [sflag:s28], $0x2780  }
0x3b: {  	[sflag:s28] =	ssyncset.done $0x0  }
0x3c: {  	[sflag:s28] =	ssyncadd.s32 $0xFFFFD880  }
0x3d: {  	[tilespmem:s5], [sflag:$0x3] =	stream.linear.gather [hbm4b:s24+s3], $0x2780, $0x38;
	[tilespmem:$0x16800] =	vst v63  }
0x3e: {  	_ =	swait.ge [sflag:s28], $0x2780  }
0x3f: {  	s20 =	rddreg [dreg:$0x11]  }
0x40: {  	s17 =	simm.s32 $0xA0;
	[sflag:s28] =	ssyncset.done $0x0;
	s19 =	rddreg [dreg:$0x10]  }
0x41: {  	s22 =	simm.s32 $0x0;
	s21 =	rddreg [dreg:$0xe];
	[sflag:s28] =	ssyncadd.s32 $0xFFFFD880  }
0x42: {  	[tilespmem:s7], [sflag:$0x1] =	stream.indirect.gather [hbm4b:s2+s6], $0x80, s3, s6, $0xb8;
	[tilespmem:$0x16800] =	vst v63  }
.LBB2_2:
0x43: {  	s18 =	sadd.s32 $0xFFFFFFB0, s17  }
0x44: {  	[tilespmem:s8], [sflag:$0x2] =	stream.indirect.gather [hbm4b:s2+s6], $0x80, s18, s6, $0xb8;
	[tilespmem:$0x16800] =	vst v63  }
0x45: {  	s18 =	sadd.s32 s22, s15;
	v26 =	vld [tilespmem:s17+$0xFFFFFF60]  }
0x46: {  	v27 =	vmov s18  }
0x47: {  	v27 =	vshrl.u32 v27, $0x5  }
0x48: {  	v27 =	vbroadcast v27, $0x0;
	_ =	sdelay $0x4  }
0x49: {  	v28 =	vld.idx.msk [tilespmem:v26+s29+$0x0], $0xffff  }
0x4a: {  	v29 =	vld.idx.msk [tilespmem:v27+s1+$0x0], $0xffff;
	_ =	sdelay $0x4  }
0x4b: {  	v28 =	vsub.f32 v28, v29;
	_ =	sdelay $0x1  }
0x4c: {  	[tilespmem:v2+s9+$0x0] =	vst.idx.msk $0xffff, v28  }
0x4d: {  	v28 =	vld.idx.msk [tilespmem:v26+s30+$0x0], $0xffff  }
0x4e: {  	v44 =	vld.idx.msk [tilespmem:v27+s0+$0x0], $0xffff;
	_ =	sdelay $0x4  }
0x4f: {  	v28 =	vsub.f32 v28, v44;
	_ =	sdelay $0x1  }
0x50: {  	[tilespmem:v6+s9+$0x0] =	vst.idx.msk $0xffff, v28  }
0x51: {  	v26 =	vld.idx.msk [tilespmem:v26+s31+$0x0], $0xffff  }
0x52: {  	v27 =	vld.idx.msk [tilespmem:v27+s5+$0x0], $0xffff;
	_ =	sdelay $0x4  }
0x53: {  	v26 =	vsub.f32 v26, v27;
	_ =	sdelay $0x1  }
0x54: {  	s23 =	sadd.s32 $0x10, s18;
	[tilespmem:v7+s9+$0x0] =	vst.idx.msk $0xffff, v26  }
0x55: {  	v27 =	vmov s23;
	[tilespmem:v8+s9+$0x0] =	vst.idx.msk $0xffff, v9  }
0x56: {  	v27 =	vshrl.u32 v27, $0x5;
	v26 =	vld [tilespmem:s17+$0xFFFFFF70]  }
0x57: {  	v27 =	vbroadcast v27, $0x0;
	_ =	sdelay $0x5  }
0x58: {  	v45 =	vld.idx.msk [tilespmem:v27+s1+$0x0], $0xffff  }
0x59: {  	v28 =	vld.idx.msk [tilespmem:v26+s29+$0x0], $0xffff;
	_ =	sdelay $0x4  }
0x5a: {  	v28 =	vsub.f32 v28, v45;
	_ =	sdelay $0x1  }
0x5b: {  	[tilespmem:v10+s9+$0x0] =	vst.idx.msk $0xffff, v28  }
0x5c: {  	v28 =	vld.idx.msk [tilespmem:v26+s30+$0x0], $0xffff  }
0x5d: {  	v46 =	vld.idx.msk [tilespmem:v27+s0+$0x0], $0xffff;
	_ =	sdelay $0x4  }
0x5e: {  	v28 =	vsub.f32 v28, v46;
	_ =	sdelay $0x1  }
0x5f: {  	[tilespmem:v11+s9+$0x0] =	vst.idx.msk $0xffff, v28  }
0x60: {  	v26 =	vld.idx.msk [tilespmem:v26+s31+$0x0], $0xffff  }
0x61: {  	v27 =	vld.idx.msk [tilespmem:v27+s5+$0x0], $0xffff;
	_ =	sdelay $0x4  }
0x62: {  	v26 =	vsub.f32 v26, v27;
	_ =	sdelay $0x1  }
0x63: {  	s23 =	sadd.s32 $0x20, s18;
	[tilespmem:v12+s9+$0x0] =	vst.idx.msk $0xffff, v26  }
0x64: {  	v27 =	vmov s23;
	[tilespmem:v13+s9+$0x0] =	vst.idx.msk $0xffff, v9  }
0x65: {  	v27 =	vshrl.u32 v27, $0x5;
	v26 =	vld [tilespmem:s17+$0xFFFFFF80]  }
0x66: {  	v27 =	vbroadcast v27, $0x0;
	_ =	sdelay $0x5  }
0x67: {  	v47 =	vld.idx.msk [tilespmem:v27+s1+$0x0], $0xffff  }
0x68: {  	v28 =	vld.idx.msk [tilespmem:v26+s29+$0x0], $0xffff;
	_ =	sdelay $0x4  }
0x69: {  	v28 =	vsub.f32 v28, v47;
	_ =	sdelay $0x1  }
0x6a: {  	[tilespmem:v14+s9+$0x0] =	vst.idx.msk $0xffff, v28  }
0x6b: {  	v28 =	vld.idx.msk [tilespmem:v26+s30+$0x0], $0xffff  }
0x6c: {  	v48 =	vld.idx.msk [tilespmem:v27+s0+$0x0], $0xffff;
	_ =	sdelay $0x4  }
0x6d: {  	v28 =	vsub.f32 v28, v48;
	_ =	sdelay $0x1  }
0x6e: {  	[tilespmem:v15+s9+$0x0] =	vst.idx.msk $0xffff, v28  }
0x6f: {  	v26 =	vld.idx.msk [tilespmem:v26+s31+$0x0], $0xffff  }
0x70: {  	v27 =	vld.idx.msk [tilespmem:v27+s5+$0x0], $0xffff;
	_ =	sdelay $0x4  }
0x71: {  	v26 =	vsub.f32 v26, v27;
	_ =	sdelay $0x1  }
0x72: {  	s23 =	sadd.s32 $0x30, s18;
	[tilespmem:v16+s9+$0x0] =	vst.idx.msk $0xffff, v26  }
0x73: {  	v27 =	vmov s23;
	[tilespmem:v17+s9+$0x0] =	vst.idx.msk $0xffff, v9  }
0x74: {  	v27 =	vshrl.u32 v27, $0x5;
	v26 =	vld [tilespmem:s17+$0xFFFFFF90]  }
0x75: {  	v27 =	vbroadcast v27, $0x0;
	_ =	sdelay $0x5  }
0x76: {  	v49 =	vld.idx.msk [tilespmem:v27+s1+$0x0], $0xffff  }
0x77: {  	v28 =	vld.idx.msk [tilespmem:v26+s29+$0x0], $0xffff;
	_ =	sdelay $0x4  }
0x78: {  	v28 =	vsub.f32 v28, v49;
	_ =	sdelay $0x1  }
0x79: {  	[tilespmem:v18+s9+$0x0] =	vst.idx.msk $0xffff, v28  }
0x7a: {  	v28 =	vld.idx.msk [tilespmem:v26+s30+$0x0], $0xffff  }
0x7b: {  	v50 =	vld.idx.msk [tilespmem:v27+s0+$0x0], $0xffff;
	_ =	sdelay $0x4  }
0x7c: {  	v28 =	vsub.f32 v28, v50;
	_ =	sdelay $0x1  }
0x7d: {  	[tilespmem:v19+s9+$0x0] =	vst.idx.msk $0xffff, v28  }
0x7e: {  	v26 =	vld.idx.msk [tilespmem:v26+s31+$0x0], $0xffff  }
0x7f: {  	v27 =	vld.idx.msk [tilespmem:v27+s5+$0x0], $0xffff;
	_ =	sdelay $0x4  }
0x80: {  	v26 =	vsub.f32 v26, v27;
	_ =	sdelay $0x1  }
0x81: {  	s23 =	sadd.s32 $0x40, s18;
	[tilespmem:v20+s9+$0x0] =	vst.idx.msk $0xffff, v26  }
0x82: {  	v27 =	vmov s23;
	[tilespmem:v21+s9+$0x0] =	vst.idx.msk $0xffff, v9  }
0x83: {  	v27 =	vshrl.u32 v27, $0x5;
	v26 =	vld [tilespmem:s17+$0xFFFFFFA0]  }
0x84: {  	v27 =	vbroadcast v27, $0x0;
	_ =	sdelay $0x5  }
0x85: {  	v51 =	vld.idx.msk [tilespmem:v27+s1+$0x0], $0xffff  }
0x86: {  	v28 =	vld.idx.msk [tilespmem:v26+s29+$0x0], $0xffff;
	_ =	sdelay $0x4  }
0x87: {  	v28 =	vsub.f32 v28, v51;
	_ =	sdelay $0x1  }
0x88: {  	[tilespmem:v22+s9+$0x0] =	vst.idx.msk $0xffff, v28  }
0x89: {  	v28 =	vld.idx.msk [tilespmem:v26+s30+$0x0], $0xffff  }
0x8a: {  	v52 =	vld.idx.msk [tilespmem:v27+s0+$0x0], $0xffff;
	_ =	sdelay $0x4  }
0x8b: {  	v28 =	vsub.f32 v28, v52;
	_ =	sdelay $0x1  }
0x8c: {  	[tilespmem:v23+s9+$0x0] =	vst.idx.msk $0xffff, v28  }
0x8d: {  	v26 =	vld.idx.msk [tilespmem:v26+s31+$0x0], $0xffff  }
0x8e: {  	v27 =	vld.idx.msk [tilespmem:v27+s5+$0x0], $0xffff;
	_ =	sdelay $0x4  }
0x8f: {  	v26 =	vsub.f32 v26, v27;
	_ =	sdelay $0x1  }
0x90: {  	[tilespmem:v24+s9+$0x0] =	vst.idx.msk $0xffff, v26  }
0x91: {  	[tilespmem:v25+s9+$0x0] =	vst.idx.msk $0xffff, v9  }
0x92: {  	[hbm4b:s19+s3] =	stream.linear.scatter [tilespmem:s9], [sflag:$0x3], $0x140, $0x38;
	[tilespmem:$0x16800] =	vst v63  }
0x93: {  	_ =	swait.ge [sflag:s28], $0x140  }
0x94: {  	[sflag:s28] =	ssyncset.done $0x0  }
0x95: {  	[sflag:s28] =	ssyncadd.s32 $0xFFFFFEC0  }
0x96: {  	_ =	swait.ge [sflag:s10], $0x2800  }
0x97: {  	[sflag:s10] =	ssyncset.done $0x0  }
0x98: {  	[sflag:s10] =	ssyncadd.s32 $0xFFFFD800  }
0x99: {  	[hbm4b:s21+s3] =	stream.linear.scatter [tilespmem:s7], [sflag:$0x3], $0x2800, $0x38;
	[tilespmem:$0x16800] =	vst v63  }
0x9a: {  	_ =	swait.ge [sflag:s28], $0x2800  }
0x9b: {  	[sflag:s28] =	ssyncset.done $0x0  }
0x9c: {  	s23 =	sadd.s32 $0x50, s18;
	[sflag:s28] =	ssyncadd.s32 $0xFFFFD800  }
0x9d: {  	v27 =	vmov s23;
	[tilespmem:s7], [sflag:$0x1] =	stream.indirect.gather [hbm4b:s2+s6], $0x80, s17, s6, $0xb8;
	[tilespmem:$0x16800] =	vst v63  }
0x9e: {  	v27 =	vshrl.u32 v27, $0x5;
	v26 =	vld [tilespmem:s17+$0xFFFFFFB0]  }
0x9f: {  	v27 =	vbroadcast v27, $0x0;
	_ =	sdelay $0x5  }
0xa0: {  	v54 =	vld.idx.msk [tilespmem:v27+s1+$0x0], $0xffff  }
0xa1: {  	v53 =	vld.idx.msk [tilespmem:v26+s29+$0x0], $0xffff;
	_ =	sdelay $0x4  }
0xa2: {  	v28 =	vsub.f32 v53, v54;
	_ =	sdelay $0x1  }
0xa3: {  	[tilespmem:v2+s11+$0x0] =	vst.idx.msk $0xffff, v28  }
0xa4: {  	v28 =	vld.idx.msk [tilespmem:v26+s30+$0x0], $0xffff  }
0xa5: {  	v55 =	vld.idx.msk [tilespmem:v27+s0+$0x0], $0xffff;
	_ =	sdelay $0x4  }
0xa6: {  	v28 =	vsub.f32 v28, v55;
	_ =	sdelay $0x1  }
0xa7: {  	[tilespmem:v6+s11+$0x0] =	vst.idx.msk $0xffff, v28  }
0xa8: {  	v26 =	vld.idx.msk [tilespmem:v26+s31+$0x0], $0xffff  }
0xa9: {  	v27 =	vld.idx.msk [tilespmem:v27+s5+$0x0], $0xffff;
	_ =	sdelay $0x4  }
0xaa: {  	v26 =	vsub.f32 v26, v27;
	_ =	sdelay $0x1  }
0xab: {  	s23 =	sadd.s32 $0x60, s18;
	[tilespmem:v7+s11+$0x0] =	vst.idx.msk $0xffff, v26  }
0xac: {  	v27 =	vmov s23;
	[tilespmem:v8+s11+$0x0] =	vst.idx.msk $0xffff, v9  }
0xad: {  	v27 =	vshrl.u32 v27, $0x5;
	v26 =	vld [tilespmem:s17+$0xFFFFFFC0]  }
0xae: {  	v27 =	vbroadcast v27, $0x0;
	_ =	sdelay $0x5  }
0xaf: {  	v56 =	vld.idx.msk [tilespmem:v27+s1+$0x0], $0xffff  }
0xb0: {  	v28 =	vld.idx.msk [tilespmem:v26+s29+$0x0], $0xffff;
	_ =	sdelay $0x4  }
0xb1: {  	v28 =	vsub.f32 v28, v56;
	_ =	sdelay $0x1  }
0xb2: {  	[tilespmem:v10+s11+$0x0] =	vst.idx.msk $0xffff, v28  }
0xb3: {  	v28 =	vld.idx.msk [tilespmem:v26+s30+$0x0], $0xffff  }
0xb4: {  	v57 =	vld.idx.msk [tilespmem:v27+s0+$0x0], $0xffff;
	_ =	sdelay $0x4  }
0xb5: {  	v28 =	vsub.f32 v28, v57;
	_ =	sdelay $0x1  }
0xb6: {  	[tilespmem:v11+s11+$0x0] =	vst.idx.msk $0xffff, v28  }
0xb7: {  	v26 =	vld.idx.msk [tilespmem:v26+s31+$0x0], $0xffff  }
0xb8: {  	v27 =	vld.idx.msk [tilespmem:v27+s5+$0x0], $0xffff;
	_ =	sdelay $0x4  }
0xb9: {  	v26 =	vsub.f32 v26, v27;
	_ =	sdelay $0x1  }
0xba: {  	s23 =	sadd.s32 $0x70, s18;
	[tilespmem:v12+s11+$0x0] =	vst.idx.msk $0xffff, v26  }
0xbb: {  	v27 =	vmov s23;
	[tilespmem:v13+s11+$0x0] =	vst.idx.msk $0xffff, v9  }
0xbc: {  	v27 =	vshrl.u32 v27, $0x5;
	v26 =	vld [tilespmem:s17+$0xFFFFFFD0]  }
0xbd: {  	v27 =	vbroadcast v27, $0x0;
	_ =	sdelay $0x5  }
0xbe: {  	v58 =	vld.idx.msk [tilespmem:v27+s1+$0x0], $0xffff  }
0xbf: {  	v28 =	vld.idx.msk [tilespmem:v26+s29+$0x0], $0xffff;
	_ =	sdelay $0x4  }
0xc0: {  	v28 =	vsub.f32 v28, v58;
	_ =	sdelay $0x1  }
0xc1: {  	[tilespmem:v14+s11+$0x0] =	vst.idx.msk $0xffff, v28  }
0xc2: {  	v28 =	vld.idx.msk [tilespmem:v26+s30+$0x0], $0xffff  }
0xc3: {  	v59 =	vld.idx.msk [tilespmem:v27+s0+$0x0], $0xffff;
	_ =	sdelay $0x4  }
0xc4: {  	v28 =	vsub.f32 v28, v59;
	_ =	sdelay $0x1  }
0xc5: {  	[tilespmem:v15+s11+$0x0] =	vst.idx.msk $0xffff, v28  }
0xc6: {  	v26 =	vld.idx.msk [tilespmem:v26+s31+$0x0], $0xffff  }
0xc7: {  	v27 =	vld.idx.msk [tilespmem:v27+s5+$0x0], $0xffff;
	_ =	sdelay $0x4  }
0xc8: {  	v26 =	vsub.f32 v26, v27;
	_ =	sdelay $0x1  }
0xc9: {  	[tilespmem:v16+s11+$0x0] =	vst.idx.msk $0xffff, v26  }
0xca: {  	s23 =	sand.u32 $0x3FE0, s22;
	[tilespmem:v17+s11+$0x0] =	vst.idx.msk $0xffff, v9  }
0xcb: {  	v26 =	vld [tilespmem:s23+$0x80];
	s23 =	sadd.s32 $0x80, s18  }
0xcc: {  	v27 =	vmov s23  }
0xcd: {  	v27 =	vshrl.u32 v27, $0x5  }
0xce: {  	v27 =	vbroadcast v27, $0x0;
	_ =	sdelay $0x4  }
0xcf: {  	v28 =	vld.idx.msk [tilespmem:v26+s29+$0x0], $0xffff  }
0xd0: {  	v60 =	vld.idx.msk [tilespmem:v27+s1+$0x0], $0xffff;
	_ =	sdelay $0x4  }
0xd1: {  	v28 =	vsub.f32 v28, v60;
	_ =	sdelay $0x1  }
0xd2: {  	[tilespmem:v18+s11+$0x0] =	vst.idx.msk $0xffff, v28  }
0xd3: {  	v28 =	vld.idx.msk [tilespmem:v26+s30+$0x0], $0xffff  }
0xd4: {  	v61 =	vld.idx.msk [tilespmem:v27+s0+$0x0], $0xffff;
	_ =	sdelay $0x4  }
0xd5: {  	v28 =	vsub.f32 v28, v61;
	_ =	sdelay $0x1  }
0xd6: {  	[tilespmem:v19+s11+$0x0] =	vst.idx.msk $0xffff, v28  }
0xd7: {  	v26 =	vld.idx.msk [tilespmem:v26+s31+$0x0], $0xffff  }
0xd8: {  	v27 =	vld.idx.msk [tilespmem:v27+s5+$0x0], $0xffff;
	_ =	sdelay $0x4  }
0xd9: {  	v26 =	vsub.f32 v26, v27;
	_ =	sdelay $0x1  }
0xda: {  	s18 =	sadd.s32 $0x90, s18;
	[tilespmem:v20+s11+$0x0] =	vst.idx.msk $0xffff, v26  }
0xdb: {  	v27 =	vmov s18;
	[tilespmem:v21+s11+$0x0] =	vst.idx.msk $0xffff, v9  }
0xdc: {  	v27 =	vshrl.u32 v27, $0x5;
	v26 =	vld [tilespmem:s17+$0xFFFFFFF0]  }
0xdd: {  	v27 =	vbroadcast v27, $0x0;
	_ =	sdelay $0x5  }
0xde: {  	v62 =	vld.idx.msk [tilespmem:v27+s1+$0x0], $0xffff  }
0xdf: {  	v28 =	vld.idx.msk [tilespmem:v26+s29+$0x0], $0xffff;
	_ =	sdelay $0x4  }
0xe0: {  	v28 =	vsub.f32 v28, v62;
	_ =	sdelay $0x1  }
0xe1: {  	[tilespmem:v22+s11+$0x0] =	vst.idx.msk $0xffff, v28  }
0xe2: {  	v28 =	vld.idx.msk [tilespmem:v26+s30+$0x0], $0xffff  }
0xe3: {  	v63 =	vld.idx.msk [tilespmem:v27+s0+$0x0], $0xffff;
	_ =	sdelay $0x4  }
0xe4: {  	v28 =	vsub.f32 v28, v63;
	_ =	sdelay $0x1  }
0xe5: {  	[tilespmem:v23+s11+$0x0] =	vst.idx.msk $0xffff, v28  }
0xe6: {  	v26 =	vld.idx.msk [tilespmem:v26+s31+$0x0], $0xffff  }
0xe7: {  	v27 =	vld.idx.msk [tilespmem:v27+s5+$0x0], $0xffff;
	_ =	sdelay $0x4  }
0xe8: {  	v26 =	vsub.f32 v26, v27;
	_ =	sdelay $0x1  }
0xe9: {  	[tilespmem:v24+s11+$0x0] =	vst.idx.msk $0xffff, v26  }
0xea: {  	[tilespmem:v25+s11+$0x0] =	vst.idx.msk $0xffff, v9  }
0xeb: {  	[hbm4b:s20+s3] =	stream.linear.scatter [tilespmem:s11], [sflag:$0x3], $0x140, $0x38;
	[tilespmem:$0x16800] =	vst v63  }
0xec: {  	_ =	swait.ge [sflag:s28], $0x140  }
0xed: {  	[sflag:s28] =	ssyncset.done $0x0  }
0xee: {  	[sflag:s28] =	ssyncadd.s32 $0xFFFFFEC0  }
0xef: {  	_ =	swait.ge [sflag:s12], $0x2800  }
0xf0: {  	p1 =	sne.s32 s22, $0x2620;
	[sflag:s12] =	ssyncset.done $0x0  }
.Ltmp0:
0xf1: {  	s23 =	sadd.s32 $0x500, s21;
	[sflag:s12] =	ssyncadd.s32 $0xFFFFD800;
	(pc) =	sbr.rel @p1 .LBB2_2-.Ltmp0, $4  }
0xf2: {  	[hbm4b:s23+s3] =	stream.linear.scatter [tilespmem:s8], [sflag:$0x3], $0x2800, $0x38;
	[tilespmem:$0x16800] =	vst v63  }
0xf3: {  	s19 =	sadd.s32 $0x50, s19;
	_ =	swait.ge [sflag:s28], $0x2800  }
0xf4: {  	s22 =	sadd.s32 $0xA0, s22;
	s21 =	sadd.s32 $0xA00, s21;
	[sflag:s28] =	ssyncset.done $0x0  }
0xf5: {  	s17 =	sadd.s32 $0xA0, s17;
	s20 =	sadd.s32 $0x50, s20;
	[sflag:s28] =	ssyncadd.s32 $0xFFFFD800  }
0xf6: {  	v26 =	vld [tilespmem:$0x26C0];
	_ =	sdelay $0x6  }
0xf7: {  	v28 =	vld.idx.msk [tilespmem:v0+s1+$0x0], $0xffff  }
0xf8: {  	v27 =	vld.idx.msk [tilespmem:v26+s29+$0x0], $0xffff;
	_ =	sdelay $0x4  }
0xf9: {  	v27 =	vsub.f32 v27, v28;
	_ =	sdelay $0x1  }
0xfa: {  	[tilespmem:v2+s9+$0x0] =	vst.idx.msk $0xffff, v27  }
0xfb: {  	v27 =	vld.idx.msk [tilespmem:v26+s30+$0x0], $0xffff  }
0xfc: {  	v55 =	vld.idx.msk [tilespmem:v0+s0+$0x0], $0xffff;
	_ =	sdelay $0x4  }
0xfd: {  	v27 =	vsub.f32 v27, v55;
	_ =	sdelay $0x1  }
0xfe: {  	[tilespmem:v6+s9+$0x0] =	vst.idx.msk $0xffff, v27  }
0xff: {  	v26 =	vld.idx.msk [tilespmem:v26+s31+$0x0], $0xffff  }
0x100: {  	v27 =	vld.idx.msk [tilespmem:v0+s5+$0x0], $0xffff;
	_ =	sdelay $0x4  }
0x101: {  	v26 =	vsub.f32 v26, v27;
	_ =	sdelay $0x1  }
0x102: {  	[tilespmem:v7+s9+$0x0] =	vst.idx.msk $0xffff, v26  }
0x103: {  	[tilespmem:v8+s9+$0x0] =	vst.idx.msk $0xffff, v9  }
0x104: {  	v26 =	vld [tilespmem:$0x26D0];
	_ =	sdelay $0x6  }
0x105: {  	v56 =	vld.idx.msk [tilespmem:v1+s1+$0x0], $0xffff  }
0x106: {  	v27 =	vld.idx.msk [tilespmem:v26+s29+$0x0], $0xffff;
	_ =	sdelay $0x4  }
0x107: {  	v27 =	vsub.f32 v27, v56;
	_ =	sdelay $0x1  }
0x108: {  	[tilespmem:v10+s9+$0x0] =	vst.idx.msk $0xffff, v27  }
0x109: {  	v27 =	vld.idx.msk [tilespmem:v26+s30+$0x0], $0xffff  }
0x10a: {  	v57 =	vld.idx.msk [tilespmem:v1+s0+$0x0], $0xffff;
	_ =	sdelay $0x4  }
0x10b: {  	v27 =	vsub.f32 v27, v57;
	_ =	sdelay $0x1  }
0x10c: {  	[tilespmem:v11+s9+$0x0] =	vst.idx.msk $0xffff, v27  }
0x10d: {  	v26 =	vld.idx.msk [tilespmem:v26+s31+$0x0], $0xffff  }
0x10e: {  	v27 =	vld.idx.msk [tilespmem:v1+s5+$0x0], $0xffff;
	_ =	sdelay $0x4  }
0x10f: {  	v26 =	vsub.f32 v26, v27;
	_ =	sdelay $0x1  }
0x110: {  	[tilespmem:v12+s9+$0x0] =	vst.idx.msk $0xffff, v26  }
0x111: {  	[tilespmem:v13+s9+$0x0] =	vst.idx.msk $0xffff, v9  }
0x112: {  	v26 =	vld [tilespmem:$0x26E0];
	_ =	sdelay $0x6  }
0x113: {  	v58 =	vld.idx.msk [tilespmem:v3+s1+$0x0], $0xffff  }
0x114: {  	v27 =	vld.idx.msk [tilespmem:v26+s29+$0x0], $0xffff;
	_ =	sdelay $0x4  }
0x115: {  	v27 =	vsub.f32 v27, v58;
	_ =	sdelay $0x1  }
0x116: {  	[tilespmem:v14+s9+$0x0] =	vst.idx.msk $0xffff, v27  }
0x117: {  	v27 =	vld.idx.msk [tilespmem:v26+s30+$0x0], $0xffff  }
0x118: {  	v59 =	vld.idx.msk [tilespmem:v3+s0+$0x0], $0xffff;
	_ =	sdelay $0x4  }
0x119: {  	v27 =	vsub.f32 v27, v59;
	_ =	sdelay $0x1  }
0x11a: {  	[tilespmem:v15+s9+$0x0] =	vst.idx.msk $0xffff, v27  }
0x11b: {  	v26 =	vld.idx.msk [tilespmem:v26+s31+$0x0], $0xffff  }
0x11c: {  	v27 =	vld.idx.msk [tilespmem:v3+s5+$0x0], $0xffff;
	_ =	sdelay $0x4  }
0x11d: {  	v26 =	vsub.f32 v26, v27;
	_ =	sdelay $0x1  }
0x11e: {  	[tilespmem:v16+s9+$0x0] =	vst.idx.msk $0xffff, v26  }
0x11f: {  	[tilespmem:v17+s9+$0x0] =	vst.idx.msk $0xffff, v9  }
0x120: {  	v26 =	vld [tilespmem:$0x26F0];
	_ =	sdelay $0x6  }
0x121: {  	v60 =	vld.idx.msk [tilespmem:v4+s1+$0x0], $0xffff  }
0x122: {  	v27 =	vld.idx.msk [tilespmem:v26+s29+$0x0], $0xffff;
	_ =	sdelay $0x4  }
0x123: {  	v27 =	vsub.f32 v27, v60;
	_ =	sdelay $0x1  }
0x124: {  	[tilespmem:v18+s9+$0x0] =	vst.idx.msk $0xffff, v27  }
0x125: {  	v27 =	vld.idx.msk [tilespmem:v26+s30+$0x0], $0xffff  }
0x126: {  	v61 =	vld.idx.msk [tilespmem:v4+s0+$0x0], $0xffff;
	_ =	sdelay $0x4  }
0x127: {  	v27 =	vsub.f32 v27, v61;
	_ =	sdelay $0x1  }
0x128: {  	[tilespmem:v19+s9+$0x0] =	vst.idx.msk $0xffff, v27  }
0x129: {  	v26 =	vld.idx.msk [tilespmem:v26+s31+$0x0], $0xffff  }
0x12a: {  	v27 =	vld.idx.msk [tilespmem:v4+s5+$0x0], $0xffff;
	_ =	sdelay $0x4  }
0x12b: {  	v26 =	vsub.f32 v26, v27;
	_ =	sdelay $0x1  }
0x12c: {  	[tilespmem:v20+s9+$0x0] =	vst.idx.msk $0xffff, v26  }
0x12d: {  	[tilespmem:v21+s9+$0x0] =	vst.idx.msk $0xffff, v9  }
0x12e: {  	v26 =	vld [tilespmem:$0x2700];
	_ =	sdelay $0x6  }
0x12f: {  	v62 =	vld.idx.msk [tilespmem:v5+s1+$0x0], $0xffff  }
0x130: {  	v27 =	vld.idx.msk [tilespmem:v26+s29+$0x0], $0xffff;
	_ =	sdelay $0x4  }
0x131: {  	v27 =	vsub.f32 v27, v62;
	_ =	sdelay $0x1  }
0x132: {  	[tilespmem:v22+s9+$0x0] =	vst.idx.msk $0xffff, v27  }
0x133: {  	v27 =	vld.idx.msk [tilespmem:v26+s30+$0x0], $0xffff  }
0x134: {  	v63 =	vld.idx.msk [tilespmem:v5+s0+$0x0], $0xffff;
	_ =	sdelay $0x4  }
0x135: {  	v27 =	vsub.f32 v27, v63;
	_ =	sdelay $0x1  }
0x136: {  	[tilespmem:v23+s9+$0x0] =	vst.idx.msk $0xffff, v27  }
0x137: {  	v26 =	vld.idx.msk [tilespmem:v26+s31+$0x0], $0xffff  }
0x138: {  	v27 =	vld.idx.msk [tilespmem:v5+s5+$0x0], $0xffff;
	_ =	sdelay $0x4  }
0x139: {  	v26 =	vsub.f32 v26, v27;
	_ =	sdelay $0x1  }
0x13a: {  	[tilespmem:v24+s9+$0x0] =	vst.idx.msk $0xffff, v26  }
0x13b: {  	s17 =	rddreg [dreg:$0xf];
	[tilespmem:v25+s9+$0x0] =	vst.idx.msk $0xffff, v9  }
0x13c: {  	[hbm4b:s17+s3] =	stream.linear.scatter [tilespmem:s9], [sflag:$0x3], $0x140, $0x38;
	[tilespmem:$0x16800] =	vst v63  }
0x13d: {  	_ =	swait.ge [sflag:s28], $0x140  }
0x13e: {  	[sflag:s28] =	ssyncset.done $0x0  }
0x13f: {  	[sflag:s28] =	ssyncadd.s32 $0xFFFFFEC0  }
0x140: {  	_ =	swait.ge [sflag:s10], $0x2800  }
0x141: {  	[sflag:s10] =	ssyncset.done $0x0  }
0x142: {  	s23 =	rddreg [dreg:$0xd];
	[sflag:s10] =	ssyncadd.s32 $0xFFFFD800  }
0x143: {  	[hbm4b:s23+s3] =	stream.linear.scatter [tilespmem:s7], [sflag:$0x3], $0x2800, $0x38;
	[tilespmem:$0x16800] =	vst v63  }
0x144: {  	_ =	swait.ge [sflag:s28], $0x2800  }
0x145: {  	[sflag:s28] =	ssyncset.done $0x0  }
0x146: {  	s18 =	rddreg [dreg:$0x5];
	[sflag:s28] =	ssyncadd.s32 $0xFFFFD800  }
0x147: {  	[tilespmem:s13], [sflag:$0x4] =	stream.linear.gather [hbm4b:s18+s3], $0x50, $0x38;
	[tilespmem:$0x16800] =	vst v63  }
0x148: {  	_ =	swait.ge [sflag:s14], $0x50  }
0x149: {  	[sflag:s14] =	ssyncset.done $0x0  }
0x14a: {  	[sflag:s14] =	ssyncadd.s32 $0xFFFFFFB0  }
0x14b: {  	[tilespmem:s7], [sflag:$0x1] =	stream.indirect.gather [hbm4b:s4+s6], $0x80, s13, s6, $0xb8;
	[tilespmem:$0x16800] =	vst v63  }
0x14c: {  	_ =	swait.ge [sflag:s10], $0x2800  }
0x14d: {  	[sflag:s10] =	ssyncset.done $0x0  }
0x14e: {  	s19 =	rddreg [dreg:$0x6];
	[sflag:s10] =	ssyncadd.s32 $0xFFFFD800  }
0x14f: {  	[hbm4b:s19+s3] =	stream.linear.scatter [tilespmem:s7], [sflag:$0x3], $0x2800, $0x38;
	[tilespmem:$0x16800] =	vst v63  }
0x150: {  	_ =	swait.ge [sflag:s28], $0x2800  }
0x151: {  	[sflag:s28] =	ssyncset.done $0x0  }
0x152: {  	s20 =	rddreg [dreg:$0x7];
	[sflag:s28] =	ssyncadd.s32 $0xFFFFD800  }
0x153: {  	[tilespmem:s13], [sflag:$0x4] =	stream.linear.gather [hbm4b:s20+s3], $0x50, $0x38;
	[tilespmem:$0x16800] =	vst v63  }
0x154: {  	_ =	swait.ge [sflag:s14], $0x50  }
0x155: {  	[sflag:s14] =	ssyncset.done $0x0  }
0x156: {  	[sflag:s14] =	ssyncadd.s32 $0xFFFFFFB0  }
0x157: {  	[tilespmem:s7], [sflag:$0x1] =	stream.indirect.gather [hbm4b:s4+s6], $0x80, s13, s6, $0xb8;
	[tilespmem:$0x16800] =	vst v63  }
0x158: {  	_ =	swait.ge [sflag:s10], $0x2800  }
0x159: {  	[sflag:s10] =	ssyncset.done $0x0  }
0x15a: {  	s21 =	rddreg [dreg:$0x8];
	[sflag:s10] =	ssyncadd.s32 $0xFFFFD800  }
0x15b: {  	[hbm4b:s21+s3] =	stream.linear.scatter [tilespmem:s7], [sflag:$0x3], $0x2800, $0x38;
	[tilespmem:$0x16800] =	vst v63  }
0x15c: {  	_ =	swait.ge [sflag:s28], $0x2800  }
0x15d: {  	[sflag:s28] =	ssyncset.done $0x0  }
0x15e: {  	s22 =	rddreg [dreg:$0x9];
	[sflag:s28] =	ssyncadd.s32 $0xFFFFD800  }
0x15f: {  	[tilespmem:s13], [sflag:$0x4] =	stream.linear.gather [hbm4b:s22+s3], $0x50, $0x38;
	[tilespmem:$0x16800] =	vst v63  }
0x160: {  	_ =	swait.ge [sflag:s14], $0x50  }
0x161: {  	[sflag:s14] =	ssyncset.done $0x0  }
0x162: {  	[sflag:s14] =	ssyncadd.s32 $0xFFFFFFB0  }
0x163: {  	[tilespmem:s7], [sflag:$0x1] =	stream.indirect.gather [hbm4b:s4+s6], $0x80, s13, s6, $0xb8;
	[tilespmem:$0x16800] =	vst v63  }
0x164: {  	_ =	swait.ge [sflag:s10], $0x2800  }
0x165: {  	[sflag:s10] =	ssyncset.done $0x0  }
0x166: {  	s23 =	rddreg [dreg:$0xb];
	[sflag:s10] =	ssyncadd.s32 $0xFFFFD800  }
0x167: {  	[hbm4b:s23+s3] =	stream.linear.scatter [tilespmem:s7], [sflag:$0x3], $0x2800, $0x38;
	[tilespmem:$0x16800] =	vst v63  }
0x168: {  	_ =	swait.ge [sflag:s28], $0x2800  }
0x169: {  	s17 =	simm.s32 @!p0 $0x0;
	[sflag:s28] =	ssyncset.done $0x0  }
0x16a: {  	s18 =	simm.s32 @!p0 $0x2780;
	s19 =	rddreg [dreg:$0xa];
	[sflag:s28] =	ssyncadd.s32 $0xFFFFD800  }
0x16b: {  	[tilespmem:s18], [sflag:$0x4] =	stream.linear.gather @!p0 [hbm4b:s19+s17], $0x50, $0x38;
	[tilespmem:$0x16800] =	vst v63  }
0x16c: {  	s19 =	simm.s32 @!p0 $0x4  }
0x16d: {  	_ =	swait.ge @!p0 [sflag:s19], $0x50  }
0x16e: {  	[sflag:s19] =	ssyncset.done @!p0 $0x0  }
0x16f: {  	s20 =	simm.s32 @!p0 $0x2800;
	[sflag:s19] =	ssyncadd.s32 @!p0 $0xFFFFFFB0;
	s19 =	simm.s32 @!p0 $0x50  }
0x170: {  	[tilespmem:s20], [sflag:$0x1] =	stream.indirect.gather @!p0 [hbm4b:s4+s19], $0x80, s18, s19, $0xb8;
	[tilespmem:$0x16800] =	vst v63  }
0x171: {  	s18 =	simm.s32 @!p0 $0x1  }
0x172: {  	_ =	swait.ge @!p0 [sflag:s18], $0x2800  }
0x173: {  	s16 =	sadd.s32 $0x1, s16;
	[sflag:s18] =	ssyncset.done @!p0 $0x0  }
0x174: {  	p1 =	sne.s32 s16, s26;
	[sflag:s18] =	ssyncadd.s32 @!p0 $0xFFFFD800;
	s18 =	rddreg [dreg:$0xc]  }
0x175: {  	[hbm4b:s18+s17] =	stream.linear.scatter @!p0 [tilespmem:s20], [sflag:$0x3], $0x2800, $0x38;
	[tilespmem:$0x16800] =	vst v63  }
.Ltmp1:
0x176: {  	_ = 	snop;
	(pc) =	sbr.rel @p1 .LBB2_1-.Ltmp1, $4  }
0x177: {  	s17 =	simm.s32 @!p0 $0x3  }
0x178: {  	_ =	swait.ge @!p0 [sflag:s17], $0x2800  }
0x179: {  	[sflag:s17] =	ssyncset.done @!p0 $0x0  }
0x17a: {  	[sflag:s17] =	ssyncadd.s32 @!p0 $0xFFFFD800  }
0x17b: {  	_ =	sfence.sel $0x180000  }
0x17c: {  	[bflag:$0x0] =	sbarrier.arrive $0xFFFF  }
0x17d: {  	_ =	strace $0x90000047  }
0x17e: {  	s0 =	stileid.u32;
	[bflag:$0x2] =	sbarrier.arrive $0xFFFF  }
0x17f: {  	p0 =	sne.s32 s0, $0x0;
	s0 =	rddreg [dreg:$0x2]  }
0x180: {  	s0 =	sadd.s32 @!p0 $0x100000, s0  }
0x181: {  	[sflag:s0] =	ssyncadd.tile.s32 @!p0 $0x1;
	_ =	shalt  }
.Lfunc_end2:
_tile_overlayer_lowered:
.L_overlay_start_2:
0x182: {  	(tag) =	ssettag $0x2  }
0x183: {  	s0 =	rddreg [dreg:$0x0];
	s2 =	stileid.u32  }
0x184: {  	s1 =	rddreg [dreg:$0x1];
	p0 =	sne.s32 s2, $0x0  }
0x185: {  	s3 =	rddreg [dreg:$0x2];
	[bflag:$0x3] =	sbarrier.arrive $0xFFFF;
	s2 =	simm.s32 @!p0 $0x1C03  }
0x186: {  	[timem:s3], [sflag:s2] =	dma.local @!p0 [hbm:s0], s1  }
0x187: {  	s0 =	simm.s32 @!p0 $0x3  }
0x188: {  	_ =	swait.ge @!p0 [sflag:s0], s1  }
0x189: {  	s1 =	ssub.s32 @!p0 $0x0, s1;
	[sflag:s0] =	ssyncset.done @!p0 $0x0  }
0x18a: {  	[sflag:s0] =	ssyncadd.s32 @!p0 s1  }
0x18b: {  	[bflag:$0x3] =	sbarrier.arrive $0xFFFF  }
0x18c: {  	_ =	shalt  }

</sc_bundles>
